<compile_context>
chip_gen: v7x
topology: tpu7x:2x2x1
jax: 0.10.2.dev20260603
libtpu: 0.0.44.dev20260713+nightly
codegen_flags: <defaults>
</compile_context>

<pallas_src>
import functools

import jax
import jax.numpy as jnp
from jax import lax
from jax.experimental import pallas as pl
from jax.experimental.pallas import tpu as pltpu
from jax.experimental.pallas import tpu_sc as plsc

N_NODES = 10000
N_EDGES = 320000
D = 128
DH = 64
NSUB = 16
NCORE = 2
CHUNK = 128
EPT = 20096
NCHUNK = EPT // CHUNK
E_PAD = NSUB * EPT
ACC_ROWS = 10240
ROWS_PER_TILE = ACC_ROWS // NSUB


def _sc_segment_sums(xa, xb, src, dst, label_i32, zeros):
    mesh = plsc.VectorSubcoreMesh(core_axis_name="c", subcore_axis_name="s")

    @functools.partial(
        pl.kernel,
        out_type=[
            jax.ShapeDtypeStruct((NCORE, ACC_ROWS, DH), jnp.float32),
            jax.ShapeDtypeStruct((NCORE, ACC_ROWS, DH), jnp.float32),
        ],
        mesh=mesh,
        compiler_params=pltpu.CompilerParams(use_tc_tiling_on_sc=False),
        scratch_types=[
            pltpu.VMEM((CHUNK,), jnp.int32),
            pltpu.VMEM((CHUNK,), jnp.int32),
            pltpu.VMEM((CHUNK,), jnp.int32),
            pltpu.VMEM((CHUNK,), jnp.int32),
            pltpu.VMEM((CHUNK, DH), jnp.float32),
            pltpu.VMEM_SHARED((ACC_ROWS, DH), jnp.float32),
            pltpu.VMEM_SHARED((ACC_ROWS, DH), jnp.float32),
            pltpu.SemaphoreType.DMA,
            pltpu.SemaphoreType.DMA,
        ],
    )
    def seg(xa_hbm, xb_hbm, src_hbm, dst_hbm, lbl_hbm, z_hbm,
            s0_hbm, s1_hbm,
            src_v, dst_v, dst1_v, lblc_v, rows_v, acc0, acc1, sem, sem2):
        c = lax.axis_index("c")
        s = lax.axis_index("s")
        trash = N_NODES + s

        def run(x_hbm):
            z0 = s * ROWS_PER_TILE
            pltpu.sync_copy(z_hbm.at[pl.ds(z0, ROWS_PER_TILE)],
                            acc0.at[pl.ds(z0, ROWS_PER_TILE)])
            pltpu.sync_copy(z_hbm.at[pl.ds(z0, ROWS_PER_TILE)],
                            acc1.at[pl.ds(z0, ROWS_PER_TILE)])
            plsc.subcore_barrier()

            base = s * EPT

            def chunk(i, carry):
                off = base + i * CHUNK
                pltpu.sync_copy(src_hbm.at[pl.ds(off, CHUNK)], src_v)
                pltpu.sync_copy(dst_hbm.at[pl.ds(off, CHUNK)], dst_v)
                rows_cp = pltpu.async_copy(x_hbm.at[src_v], rows_v, sem)
                lbl_cp = pltpu.async_copy(lbl_hbm.at[src_v], lblc_v, sem2)
                lbl_cp.wait()
                for j in range(CHUNK // 16):
                    sl = pl.ds(j * 16, 16)
                    dst1_v[sl] = jnp.where(lblc_v[sl] == 1, dst_v[sl], trash)
                rows_cp.wait()
                pltpu.sync_copy(rows_v, acc0.at[dst_v], add=True)
                pltpu.sync_copy(rows_v, acc1.at[dst1_v], add=True)
                return carry

            lax.fori_loop(0, NCHUNK, chunk, 0)
            plsc.subcore_barrier()

            r0 = s * ROWS_PER_TILE
            pltpu.sync_copy(acc0.at[pl.ds(r0, ROWS_PER_TILE)],
                            s0_hbm.at[c, pl.ds(r0, ROWS_PER_TILE)])
            pltpu.sync_copy(acc1.at[pl.ds(r0, ROWS_PER_TILE)],
                            s1_hbm.at[c, pl.ds(r0, ROWS_PER_TILE)])

        @pl.when(c == 0)
        def _():
            run(xa_hbm)

        @pl.when(c == 1)
        def _():
            run(xb_hbm)

    return seg(xa, xb, src, dst, label_i32, zeros)


def _tc_epilogue(eps2, x, s0, s1, ws, wp, wn):
    BN = 2000
    grid = N_NODES // BN

    def body(eps_ref, x_ref, s0_ref, s1_ref, ws_ref, wp_ref, wn_ref, o_ref):
        ep = eps_ref[0]
        en = eps_ref[1]
        s0a = s0_ref[0]
        s0b = s0_ref[1]
        s1a = s1_ref[0]
        s1b = s1_ref[1]
        pa = s0a + s1a
        pb = s0b + s1b
        xb = x_ref[...]
        hfa = xb[:, :DH] + (1.0 + ep) * pa + (1.0 + en) * s1a
        hfb = xb[:, DH:] + (1.0 + ep) * pb + (1.0 + en) * s1b

        def mm(a, b, w_ref):
            return (jnp.dot(a, w_ref[:DH, :], preferred_element_type=jnp.float32)
                    + jnp.dot(b, w_ref[DH:, :], preferred_element_type=jnp.float32))

        o_ref[:, 0:D] = jnp.maximum(mm(hfa, hfb, ws_ref), 0.0)
        o_ref[:, D:2 * D] = jnp.maximum(mm(pa, pb, wp_ref), 0.0)
        o_ref[:, 2 * D:3 * D] = jnp.maximum(mm(s1a, s1b, wn_ref), 0.0)

    return pl.pallas_call(
        body,
        grid=(grid,),
        in_specs=[
            pl.BlockSpec(memory_space=pltpu.SMEM),
            pl.BlockSpec((BN, D), lambda i: (i, 0)),
            pl.BlockSpec((NCORE, BN, DH), lambda i: (0, i, 0)),
            pl.BlockSpec((NCORE, BN, DH), lambda i: (0, i, 0)),
            pl.BlockSpec((D, D), lambda i: (0, 0)),
            pl.BlockSpec((D, D), lambda i: (0, 0)),
            pl.BlockSpec((D, D), lambda i: (0, 0)),
        ],
        out_specs=pl.BlockSpec((BN, 3 * D), lambda i: (i, 0)),
        out_shape=jax.ShapeDtypeStruct((N_NODES, 3 * D), jnp.float32),
    )(eps2, x, s0, s1, ws, wp, wn)


def kernel(x, edge_index, label, eps_pos, eps_neg, weight_self, weight_pos, weight_neg):
    src = edge_index[0].astype(jnp.int32)
    dst = edge_index[1].astype(jnp.int32)
    lbl = label.astype(jnp.int32)

    pad = E_PAD - N_EDGES
    src_p = jnp.concatenate([src, jnp.zeros((pad,), jnp.int32)])
    dst_p = jnp.concatenate([dst, jnp.full((pad,), N_NODES, jnp.int32)])

    xa = x[:, :DH]
    xb = x[:, DH:]
    zeros = jnp.zeros((ACC_ROWS, DH), jnp.float32)

    s0, s1 = _sc_segment_sums(xa, xb, src_p, dst_p, lbl, zeros)

    eps2 = jnp.concatenate([eps_pos, eps_neg])
    return _tc_epilogue(eps2, x, s0, s1, weight_self, weight_pos, weight_neg)

# --- scband reference (transcript-rebuilt; emitter-appended) ---
"""Pipeline reference for scband-split-message-pass-11965778886799 (READ-ONLY COPY).

The authoritative reference and input builder live on the scoring server;
editing this copy changes nothing except your own understanding.
"""

import jax, jax.numpy as jnp
import numpy as np

N_NODES = 10000
N_EDGES = 320000
IN_FEATS = 128
OUT_FEATS = 128


def _xavier_uniform(key, shape):
    fan_in, fan_out = shape[0], shape[1]
    limit = float(np.sqrt(6.0 / (fan_in + fan_out)))
    return jax.random.uniform(key, shape, dtype=jnp.float32, minval=-limit, maxval=limit)


def setup_inputs(seed: int = 0) -> dict:
    key = jax.random.key(seed)
    k_x, k_e, k_l, k_ws, k_wp, k_wn = jax.random.split(key, 6)
    x = jax.random.normal(k_x, (N_NODES, IN_FEATS), dtype=jnp.float32)
    edge_index = jax.random.randint(k_e, (2, N_EDGES), 0, N_NODES, dtype=jnp.int64)
    label = jax.random.randint(k_l, (N_NODES,), 0, 2, dtype=jnp.int64)
    eps_pos = jnp.zeros((1,), dtype=jnp.float32)
    eps_neg = jnp.zeros((1,), dtype=jnp.float32)
    weight_self = _xavier_uniform(k_ws, (IN_FEATS, OUT_FEATS))
    weight_pos = _xavier_uniform(k_wp, (IN_FEATS, OUT_FEATS))
    weight_neg = _xavier_uniform(k_wn, (IN_FEATS, OUT_FEATS))
    return {"x": x, "edge_index": edge_index, "label": label,
            "eps_pos": eps_pos, "eps_neg": eps_neg,
            "weight_self": weight_self, "weight_pos": weight_pos, "weight_neg": weight_neg}


def reference(x, edge_index, label, eps_pos, eps_neg, weight_self, weight_pos, weight_neg):
    src = edge_index[0]
    dst = edge_index[1]
    lbl = label.astype(jnp.float32)
    # Message: m = cat([h_src * (lbl - 1 * -1), h_src * lbl], dim=1)
    # note torch precedence: lbl - (1 * -1) = lbl + 1
    h_src = jnp.take(x, src, axis=0)            # gather [E, d]
    lbl_src = jnp.take(lbl, src, axis=0)        # gather [E]
    m_pos = h_src * (lbl_src + 1.0)[:, None]
    m_neg = h_src * lbl_src[:, None]
    # fn.sum('m','h_sum') -> scatter-add onto dst nodes
    h_sum_pos = jax.ops.segment_sum(m_pos, dst, num_segments=N_NODES)
    h_sum_neg = jax.ops.segment_sum(m_neg, dst, num_segments=N_NODES)
    h_self = x
    h_self_fin = h_self + (1.0 + eps_pos) * h_sum_pos + (1.0 + eps_neg) * h_sum_neg
    h_self_mult = jnp.matmul(h_self_fin, weight_self)
    h_sum_pos_mult = jnp.matmul(h_sum_pos, weight_pos)
    h_sum_neg_mult = jnp.matmul(h_sum_neg, weight_neg)
    rst = jnp.concatenate([h_self_mult, h_sum_pos_mult, h_sum_neg_mult], axis=1)
    rst = jax.nn.relu(rst)
    return rst

if __name__ == "__main__":
    import jax
    _d = setup_inputs()
    print(jax.jit(kernel)(*tuple(_d.values())))

</pallas_src>

<mosaic_0001>
#map = affine_map<(d0, d1) -> (0, 0)>
#map1 = affine_map<(d0, d1) -> (0)>
#map2 = affine_map<(d0, d1) -> (0, 0, 0)>
module attributes {stable_mosaic.version = 14 : i64} {
  func.func @seg(%arg0: i32, %arg1: i32, %arg2: memref<10000x64xf32, #tpu.memory_space<hbm>>, %arg3: memref<10000x64xf32, #tpu.memory_space<hbm>>, %arg4: memref<321536xi32, #tpu.memory_space<hbm>>, %arg5: memref<321536xi32, #tpu.memory_space<hbm>>, %arg6: memref<10000xi32, #tpu.memory_space<hbm>>, %arg7: memref<10240x64xf32, #tpu.memory_space<hbm>>, %arg8: memref<2x10240x64xf32, #tpu.memory_space<hbm>>, %arg9: memref<2x10240x64xf32, #tpu.memory_space<hbm>>, %arg10: memref<128xi32, #tpu.memory_space<vmem>>, %arg11: memref<128xi32, #tpu.memory_space<vmem>>, %arg12: memref<128xi32, #tpu.memory_space<vmem>>, %arg13: memref<128xi32, #tpu.memory_space<vmem>>, %arg14: memref<128x64xf32, #tpu.memory_space<vmem>>, %arg15: memref<10240x64xf32, #tpu.memory_space<vmem_shared>>, %arg16: memref<10240x64xf32, #tpu.memory_space<vmem_shared>>, %arg17: memref<!tpu.dma_semaphore, #tpu.memory_space<semaphore_mem>>, %arg18: memref<!tpu.dma_semaphore, #tpu.memory_space<semaphore_mem>>) attributes {dimension_semantics = [#tpu.dimension_semantics<core_parallel>, #tpu.dimension_semantics<subcore_parallel>], iteration_bounds = array<i64: 2, 16>, scalar_prefetch = 0 : i64, scratch_operands = 9 : i64, tpu.core_type = #tpu.core_type<sc_vector_subcore>, window_params = [{transform_indices = #map}, {transform_indices = #map}, {transform_indices = #map1}, {transform_indices = #map1}, {transform_indices = #map1}, {transform_indices = #map}, {transform_indices = #map2}, {transform_indices = #map2}]} {
    %add3A = arith.constant 10000 : i32
    %add3A_0 = arith.addi %add3A, %arg1 : i32
    %eq3A = arith.constant 0 : i32
    %eq3A_1 = arith.cmpi eq, %arg0, %eq3A : i32
    %convert_element_type3A = arith.extui %eq3A_1 : i1 to i32
    %cond3A = arith.constant 0 : i32
    %cond3A_2 = arith.cmpi ne, %convert_element_type3A, %cond3A : i32
    scf.if %cond3A_2 {
      %mul3A = arith.constant 640 : i32
      %mul3A_8 = arith.muli %arg1, %mul3A : i32
      "tpu.region"() ({
        %run_scoped3A = tpu.sem_alloc : memref<!tpu.dma_semaphore, #tpu.memory_space<semaphore_mem>>
        %dma_start3A = arith.constant 0 : i32
        %dma_start3A_19 = tpu.memref_slice %arg15[%mul3A_8, %dma_start3A] : memref<10240x64xf32, #tpu.memory_space<vmem_shared>> -> memref<640x64xf32, #tpu.memory_space<vmem_shared>>
        %dma_start3A_20 = arith.constant 0 : i32
        %dma_start3A_21 = tpu.memref_slice %arg7[%mul3A_8, %dma_start3A_20] : memref<10240x64xf32, #tpu.memory_space<hbm>> -> memref<640x64xf32, #tpu.memory_space<hbm>>
        tpu.enqueue_dma source(%dma_start3A_21 : memref<640x64xf32, #tpu.memory_space<hbm>>) target(%dma_start3A_19 : memref<640x64xf32, #tpu.memory_space<vmem_shared>>) target_semaphore(%run_scoped3A : memref<!tpu.dma_semaphore, #tpu.memory_space<semaphore_mem>>)
        %dma_wait3A = arith.constant 0 : i32
        %dma_wait3A_22 = tpu.memref_slice %arg15[%mul3A_8, %dma_wait3A] : memref<10240x64xf32, #tpu.memory_space<vmem_shared>> -> memref<640x64xf32, #tpu.memory_space<vmem_shared>>
        %dma_wait3A_23 = arith.constant 0 : i32
        %dma_wait3A_24 = tpu.memref_slice %arg7[%mul3A_8, %dma_wait3A_23] : memref<10240x64xf32, #tpu.memory_space<hbm>> -> memref<640x64xf32, #tpu.memory_space<hbm>>
        tpu.wait_dma2 semaphore(%run_scoped3A : memref<!tpu.dma_semaphore, #tpu.memory_space<semaphore_mem>>) src(%dma_wait3A_24 : memref<640x64xf32, #tpu.memory_space<hbm>>) dst(%dma_wait3A_22 : memref<640x64xf32, #tpu.memory_space<vmem_shared>>)
        tpu.yield
      }) : () -> ()
      "tpu.region"() ({
        %run_scoped3A = tpu.sem_alloc : memref<!tpu.dma_semaphore, #tpu.memory_space<semaphore_mem>>
        %dma_start3A = arith.constant 0 : i32
        %dma_start3A_19 = tpu.memref_slice %arg16[%mul3A_8, %dma_start3A] : memref<10240x64xf32, #tpu.memory_space<vmem_shared>> -> memref<640x64xf32, #tpu.memory_space<vmem_shared>>
        %dma_start3A_20 = arith.constant 0 : i32
        %dma_start3A_21 = tpu.memref_slice %arg7[%mul3A_8, %dma_start3A_20] : memref<10240x64xf32, #tpu.memory_space<hbm>> -> memref<640x64xf32, #tpu.memory_space<hbm>>
        tpu.enqueue_dma source(%dma_start3A_21 : memref<640x64xf32, #tpu.memory_space<hbm>>) target(%dma_start3A_19 : memref<640x64xf32, #tpu.memory_space<vmem_shared>>) target_semaphore(%run_scoped3A : memref<!tpu.dma_semaphore, #tpu.memory_space<semaphore_mem>>)
        %dma_wait3A = arith.constant 0 : i32
        %dma_wait3A_22 = tpu.memref_slice %arg16[%mul3A_8, %dma_wait3A] : memref<10240x64xf32, #tpu.memory_space<vmem_shared>> -> memref<640x64xf32, #tpu.memory_space<vmem_shared>>
        %dma_wait3A_23 = arith.constant 0 : i32
        %dma_wait3A_24 = tpu.memref_slice %arg7[%mul3A_8, %dma_wait3A_23] : memref<10240x64xf32, #tpu.memory_space<hbm>> -> memref<640x64xf32, #tpu.memory_space<hbm>>
        tpu.wait_dma2 semaphore(%run_scoped3A : memref<!tpu.dma_semaphore, #tpu.memory_space<semaphore_mem>>) src(%dma_wait3A_24 : memref<640x64xf32, #tpu.memory_space<hbm>>) dst(%dma_wait3A_22 : memref<640x64xf32, #tpu.memory_space<vmem_shared>>)
        tpu.yield
      }) : () -> ()
      %barrier3A = arith.constant 0 : index
      tpu.barrier barrier_id(%barrier3A)
      %mul3A_9 = arith.constant 20096 : i32
      %mul3A_10 = arith.muli %arg1, %mul3A_9 : i32
      %scan3A = arith.constant 0 : i32
      %scan3A_11 = arith.constant 0 : i32
      %scan3A_12 = arith.constant 157 : i32
      %scan3A_13 = arith.addi %scan3A_11, %scan3A_12 : i32
      %scan3A_14 = arith.constant 1 : i32
      scf.for %scan3A_19 = %scan3A_11 to %scan3A_13 step %scan3A_14  : i32 {
        %mul3A_20 = arith.constant 128 : i32
        %mul3A_21 = arith.muli %scan3A_19, %mul3A_20 : i32
        %add3A_22 = arith.addi %mul3A_10, %mul3A_21 : i32
        "tpu.region"() ({
          %run_scoped3A = tpu.sem_alloc : memref<!tpu.dma_semaphore, #tpu.memory_space<semaphore_mem>>
          %dma_start3A_147 = tpu.memref_slice %arg4[%add3A_22] : memref<321536xi32, #tpu.memory_space<hbm>> -> memref<128xi32, #tpu.memory_space<hbm>>
          %dma_start3A_148 = tpu.memref_slice %arg4[%add3A_22] : memref<321536xi32, #tpu.memory_space<hbm>> -> memref<128xi32, #tpu.memory_space<hbm>>
          tpu.enqueue_dma source(%dma_start3A_148 : memref<128xi32, #tpu.memory_space<hbm>>) target(%arg10 : memref<128xi32, #tpu.memory_space<vmem>>) target_semaphore(%run_scoped3A : memref<!tpu.dma_semaphore, #tpu.memory_space<semaphore_mem>>)
          %dma_wait3A_149 = tpu.memref_slice %arg4[%add3A_22] : memref<321536xi32, #tpu.memory_space<hbm>> -> memref<128xi32, #tpu.memory_space<hbm>>
          %dma_wait3A_150 = tpu.memref_slice %arg4[%add3A_22] : memref<321536xi32, #tpu.memory_space<hbm>> -> memref<128xi32, #tpu.memory_space<hbm>>
          tpu.wait_dma2 semaphore(%run_scoped3A : memref<!tpu.dma_semaphore, #tpu.memory_space<semaphore_mem>>) src(%dma_wait3A_150 : memref<128xi32, #tpu.memory_space<hbm>>) dst(%arg10 : memref<128xi32, #tpu.memory_space<vmem>>)
          tpu.yield
        }) : () -> ()
        "tpu.region"() ({
          %run_scoped3A = tpu.sem_alloc : memref<!tpu.dma_semaphore, #tpu.memory_space<semaphore_mem>>
          %dma_start3A_147 = tpu.memref_slice %arg5[%add3A_22] : memref<321536xi32, #tpu.memory_space<hbm>> -> memref<128xi32, #tpu.memory_space<hbm>>
          %dma_start3A_148 = tpu.memref_slice %arg5[%add3A_22] : memref<321536xi32, #tpu.memory_space<hbm>> -> memref<128xi32, #tpu.memory_space<hbm>>
          tpu.enqueue_dma source(%dma_start3A_148 : memref<128xi32, #tpu.memory_space<hbm>>) target(%arg11 : memref<128xi32, #tpu.memory_space<vmem>>) target_semaphore(%run_scoped3A : memref<!tpu.dma_semaphore, #tpu.memory_space<semaphore_mem>>)
          %dma_wait3A_149 = tpu.memref_slice %arg5[%add3A_22] : memref<321536xi32, #tpu.memory_space<hbm>> -> memref<128xi32, #tpu.memory_space<hbm>>
          %dma_wait3A_150 = tpu.memref_slice %arg5[%add3A_22] : memref<321536xi32, #tpu.memory_space<hbm>> -> memref<128xi32, #tpu.memory_space<hbm>>
          tpu.wait_dma2 semaphore(%run_scoped3A : memref<!tpu.dma_semaphore, #tpu.memory_space<semaphore_mem>>) src(%dma_wait3A_150 : memref<128xi32, #tpu.memory_space<hbm>>) dst(%arg11 : memref<128xi32, #tpu.memory_space<vmem>>)
          tpu.yield
        }) : () -> ()
        %dma_start3A = arith.constant 0 : i32
        %dma_start3A_23 = arith.constant 0 : i32
        %dma_start3A_24 = tpu.memref_slice %arg2[%dma_start3A, %dma_start3A_23] : memref<10000x64xf32, #tpu.memory_space<hbm>> -> memref<10000x64xf32, #tpu.memory_space<hbm>>
        tpu.enqueue_indirect_dma source(%dma_start3A_24 : memref<10000x64xf32, #tpu.memory_space<hbm>>) target(%arg14 : memref<128x64xf32, #tpu.memory_space<vmem>>) offsets(%arg10 : memref<128xi32, #tpu.memory_space<vmem>>) semaphore(%arg17 : memref<!tpu.dma_semaphore, #tpu.memory_space<semaphore_mem>>)
        %dma_start3A_25 = arith.constant 0 : i32
        %dma_start3A_26 = tpu.memref_slice %arg6[%dma_start3A_25] : memref<10000xi32, #tpu.memory_space<hbm>> -> memref<10000xi32, #tpu.memory_space<hbm>>
        tpu.enqueue_indirect_dma source(%dma_start3A_26 : memref<10000xi32, #tpu.memory_space<hbm>>) target(%arg13 : memref<128xi32, #tpu.memory_space<vmem>>) offsets(%arg10 : memref<128xi32, #tpu.memory_space<vmem>>) semaphore(%arg18 : memref<!tpu.dma_semaphore, #tpu.memory_space<semaphore_mem>>)
        %dma_wait3A = arith.constant 0 : i32
        %dma_wait3A_27 = tpu.memref_slice %arg6[%dma_wait3A] : memref<10000xi32, #tpu.memory_space<hbm>> -> memref<10000xi32, #tpu.memory_space<hbm>>
        tpu.wait_indirect_dma semaphore(%arg18 : memref<!tpu.dma_semaphore, #tpu.memory_space<semaphore_mem>>) src(%dma_wait3A_27 : memref<10000xi32, #tpu.memory_space<hbm>>) dst(%arg13 : memref<128xi32, #tpu.memory_space<vmem>>)
        %get3A = arith.constant 0 : index
        %get3A_28 = tpu.vector_load %arg13[%get3A] {strides = array<i32>} : memref<128xi32, #tpu.memory_space<vmem>>, vector<16xi32>,
        %get3A_29 = vector.shape_cast %get3A_28 : vector<16xi32> to vector<16xi32>
        %eq3A_30 = arith.constant 1 : i32
        %eq3A_31 = vector.broadcast %eq3A_30 : i32 to vector<16xi32>
        %eq3A_32 = arith.cmpi eq, %get3A_29, %eq3A_31 : vector<16xi32>
        %get3A_33 = arith.constant 0 : index
        %get3A_34 = tpu.vector_load %arg11[%get3A_33] {strides = array<i32>} : memref<128xi32, #tpu.memory_space<vmem>>, vector<16xi32>,
        %get3A_35 = vector.shape_cast %get3A_34 : vector<16xi32> to vector<16xi32>
        %broadcast_in_dim3A = vector.broadcast %add3A_0 : i32 to vector<16xi32>
        %select_n3A = arith.select %eq3A_32, %get3A_35, %broadcast_in_dim3A : vector<16xi1>, vector<16xi32>
        %swap3A = arith.constant 0 : index
        %swap3A_36 = tpu.vector_load %arg12[%swap3A] {strides = array<i32>} : memref<128xi32, #tpu.memory_space<vmem>>, vector<16xi32>,
        %swap3A_37 = vector.shape_cast %swap3A_36 : vector<16xi32> to vector<16xi32>
        %swap3A_38 = vector.shape_cast %select_n3A : vector<16xi32> to vector<16xi32>
        tpu.vector_store %arg12[%swap3A], %swap3A_38 {strides = array<i32>} : memref<128xi32, #tpu.memory_space<vmem>>, vector<16xi32>,
        %get3A_39 = arith.constant 16 : index
        %get3A_40 = tpu.vector_load %arg13[%get3A_39] {strides = array<i32>} : memref<128xi32, #tpu.memory_space<vmem>>, vector<16xi32>,
        %get3A_41 = vector.shape_cast %get3A_40 : vector<16xi32> to vector<16xi32>
        %eq3A_42 = arith.constant 1 : i32
        %eq3A_43 = vector.broadcast %eq3A_42 : i32 to vector<16xi32>
        %eq3A_44 = arith.cmpi eq, %get3A_41, %eq3A_43 : vector<16xi32>
        %get3A_45 = arith.constant 16 : index
        %get3A_46 = tpu.vector_load %arg11[%get3A_45] {strides = array<i32>} : memref<128xi32, #tpu.memory_space<vmem>>, vector<16xi32>,
        %get3A_47 = vector.shape_cast %get3A_46 : vector<16xi32> to vector<16xi32>
        %broadcast_in_dim3A_48 = vector.broadcast %add3A_0 : i32 to vector<16xi32>
        %select_n3A_49 = arith.select %eq3A_44, %get3A_47, %broadcast_in_dim3A_48 : vector<16xi1>, vector<16xi32>
        %swap3A_50 = arith.constant 16 : index
        %swap3A_51 = tpu.vector_load %arg12[%swap3A_50] {strides = array<i32>} : memref<128xi32, #tpu.memory_space<vmem>>, vector<16xi32>,
        %swap3A_52 = vector.shape_cast %swap3A_51 : vector<16xi32> to vector<16xi32>
        %swap3A_53 = vector.shape_cast %select_n3A_49 : vector<16xi32> to vector<16xi32>
        tpu.vector_store %arg12[%swap3A_50], %swap3A_53 {strides = array<i32>} : memref<128xi32, #tpu.memory_space<vmem>>, vector<16xi32>,
        %get3A_54 = arith.constant 32 : index
        %get3A_55 = tpu.vector_load %arg13[%get3A_54] {strides = array<i32>} : memref<128xi32, #tpu.memory_space<vmem>>, vector<16xi32>,
        %get3A_56 = vector.shape_cast %get3A_55 : vector<16xi32> to vector<16xi32>
        %eq3A_57 = arith.constant 1 : i32
        %eq3A_58 = vector.broadcast %eq3A_57 : i32 to vector<16xi32>
        %eq3A_59 = arith.cmpi eq, %get3A_56, %eq3A_58 : vector<16xi32>
        %get3A_60 = arith.constant 32 : index
        %get3A_61 = tpu.vector_load %arg11[%get3A_60] {strides = array<i32>} : memref<128xi32, #tpu.memory_space<vmem>>, vector<16xi32>,
        %get3A_62 = vector.shape_cast %get3A_61 : vector<16xi32> to vector<16xi32>
        %broadcast_in_dim3A_63 = vector.broadcast %add3A_0 : i32 to vector<16xi32>
        %select_n3A_64 = arith.select %eq3A_59, %get3A_62, %broadcast_in_dim3A_63 : vector<16xi1>, vector<16xi32>
        %swap3A_65 = arith.constant 32 : index
        %swap3A_66 = tpu.vector_load %arg12[%swap3A_65] {strides = array<i32>} : memref<128xi32, #tpu.memory_space<vmem>>, vector<16xi32>,
        %swap3A_67 = vector.shape_cast %swap3A_66 : vector<16xi32> to vector<16xi32>
        %swap3A_68 = vector.shape_cast %select_n3A_64 : vector<16xi32> to vector<16xi32>
        tpu.vector_store %arg12[%swap3A_65], %swap3A_68 {strides = array<i32>} : memref<128xi32, #tpu.memory_space<vmem>>, vector<16xi32>,
        %get3A_69 = arith.constant 48 : index
        %get3A_70 = tpu.vector_load %arg13[%get3A_69] {strides = array<i32>} : memref<128xi32, #tpu.memory_space<vmem>>, vector<16xi32>,
        %get3A_71 = vector.shape_cast %get3A_70 : vector<16xi32> to vector<16xi32>
        %eq3A_72 = arith.constant 1 : i32
        %eq3A_73 = vector.broadcast %eq3A_72 : i32 to vector<16xi32>
        %eq3A_74 = arith.cmpi eq, %get3A_71, %eq3A_73 : vector<16xi32>
        %get3A_75 = arith.constant 48 : index
        %get3A_76 = tpu.vector_load %arg11[%get3A_75] {strides = array<i32>} : memref<128xi32, #tpu.memory_space<vmem>>, vector<16xi32>,
        %get3A_77 = vector.shape_cast %get3A_76 : vector<16xi32> to vector<16xi32>
        %broadcast_in_dim3A_78 = vector.broadcast %add3A_0 : i32 to vector<16xi32>
        %select_n3A_79 = arith.select %eq3A_74, %get3A_77, %broadcast_in_dim3A_78 : vector<16xi1>, vector<16xi32>
        %swap3A_80 = arith.constant 48 : index
        %swap3A_81 = tpu.vector_load %arg12[%swap3A_80] {strides = array<i32>} : memref<128xi32, #tpu.memory_space<vmem>>, vector<16xi32>,
        %swap3A_82 = vector.shape_cast %swap3A_81 : vector<16xi32> to vector<16xi32>
        %swap3A_83 = vector.shape_cast %select_n3A_79 : vector<16xi32> to vector<16xi32>
        tpu.vector_store %arg12[%swap3A_80], %swap3A_83 {strides = array<i32>} : memref<128xi32, #tpu.memory_space<vmem>>, vector<16xi32>,
        %get3A_84 = arith.constant 64 : index
        %get3A_85 = tpu.vector_load %arg13[%get3A_84] {strides = array<i32>} : memref<128xi32, #tpu.memory_space<vmem>>, vector<16xi32>,
        %get3A_86 = vector.shape_cast %get3A_85 : vector<16xi32> to vector<16xi32>
        %eq3A_87 = arith.constant 1 : i32
        %eq3A_88 = vector.broadcast %eq3A_87 : i32 to vector<16xi32>
        %eq3A_89 = arith.cmpi eq, %get3A_86, %eq3A_88 : vector<16xi32>
        %get3A_90 = arith.constant 64 : index
        %get3A_91 = tpu.vector_load %arg11[%get3A_90] {strides = array<i32>} : memref<128xi32, #tpu.memory_space<vmem>>, vector<16xi32>,
        %get3A_92 = vector.shape_cast %get3A_91 : vector<16xi32> to vector<16xi32>
        %broadcast_in_dim3A_93 = vector.broadcast %add3A_0 : i32 to vector<16xi32>
        %select_n3A_94 = arith.select %eq3A_89, %get3A_92, %broadcast_in_dim3A_93 : vector<16xi1>, vector<16xi32>
        %swap3A_95 = arith.constant 64 : index
        %swap3A_96 = tpu.vector_load %arg12[%swap3A_95] {strides = array<i32>} : memref<128xi32, #tpu.memory_space<vmem>>, vector<16xi32>,
        %swap3A_97 = vector.shape_cast %swap3A_96 : vector<16xi32> to vector<16xi32>
        %swap3A_98 = vector.shape_cast %select_n3A_94 : vector<16xi32> to vector<16xi32>
        tpu.vector_store %arg12[%swap3A_95], %swap3A_98 {strides = array<i32>} : memref<128xi32, #tpu.memory_space<vmem>>, vector<16xi32>,
        %get3A_99 = arith.constant 80 : index
        %get3A_100 = tpu.vector_load %arg13[%get3A_99] {strides = array<i32>} : memref<128xi32, #tpu.memory_space<vmem>>, vector<16xi32>,
        %get3A_101 = vector.shape_cast %get3A_100 : vector<16xi32> to vector<16xi32>
        %eq3A_102 = arith.constant 1 : i32
        %eq3A_103 = vector.broadcast %eq3A_102 : i32 to vector<16xi32>
        %eq3A_104 = arith.cmpi eq, %get3A_101, %eq3A_103 : vector<16xi32>
        %get3A_105 = arith.constant 80 : index
        %get3A_106 = tpu.vector_load %arg11[%get3A_105] {strides = array<i32>} : memref<128xi32, #tpu.memory_space<vmem>>, vector<16xi32>,
        %get3A_107 = vector.shape_cast %get3A_106 : vector<16xi32> to vector<16xi32>
        %broadcast_in_dim3A_108 = vector.broadcast %add3A_0 : i32 to vector<16xi32>
        %select_n3A_109 = arith.select %eq3A_104, %get3A_107, %broadcast_in_dim3A_108 : vector<16xi1>, vector<16xi32>
        %swap3A_110 = arith.constant 80 : index
        %swap3A_111 = tpu.vector_load %arg12[%swap3A_110] {strides = array<i32>} : memref<128xi32, #tpu.memory_space<vmem>>, vector<16xi32>,
        %swap3A_112 = vector.shape_cast %swap3A_111 : vector<16xi32> to vector<16xi32>
        %swap3A_113 = vector.shape_cast %select_n3A_109 : vector<16xi32> to vector<16xi32>
        tpu.vector_store %arg12[%swap3A_110], %swap3A_113 {strides = array<i32>} : memref<128xi32, #tpu.memory_space<vmem>>, vector<16xi32>,
        %get3A_114 = arith.constant 96 : index
        %get3A_115 = tpu.vector_load %arg13[%get3A_114] {strides = array<i32>} : memref<128xi32, #tpu.memory_space<vmem>>, vector<16xi32>,
        %get3A_116 = vector.shape_cast %get3A_115 : vector<16xi32> to vector<16xi32>
        %eq3A_117 = arith.constant 1 : i32
        %eq3A_118 = vector.broadcast %eq3A_117 : i32 to vector<16xi32>
        %eq3A_119 = arith.cmpi eq, %get3A_116, %eq3A_118 : vector<16xi32>
        %get3A_120 = arith.constant 96 : index
        %get3A_121 = tpu.vector_load %arg11[%get3A_120] {strides = array<i32>} : memref<128xi32, #tpu.memory_space<vmem>>, vector<16xi32>,
        %get3A_122 = vector.shape_cast %get3A_121 : vector<16xi32> to vector<16xi32>
        %broadcast_in_dim3A_123 = vector.broadcast %add3A_0 : i32 to vector<16xi32>
        %select_n3A_124 = arith.select %eq3A_119, %get3A_122, %broadcast_in_dim3A_123 : vector<16xi1>, vector<16xi32>
        %swap3A_125 = arith.constant 96 : index
        %swap3A_126 = tpu.vector_load %arg12[%swap3A_125] {strides = array<i32>} : memref<128xi32, #tpu.memory_space<vmem>>, vector<16xi32>,
        %swap3A_127 = vector.shape_cast %swap3A_126 : vector<16xi32> to vector<16xi32>
        %swap3A_128 = vector.shape_cast %select_n3A_124 : vector<16xi32> to vector<16xi32>
        tpu.vector_store %arg12[%swap3A_125], %swap3A_128 {strides = array<i32>} : memref<128xi32, #tpu.memory_space<vmem>>, vector<16xi32>,
        %get3A_129 = arith.constant 112 : index
        %get3A_130 = tpu.vector_load %arg13[%get3A_129] {strides = array<i32>} : memref<128xi32, #tpu.memory_space<vmem>>, vector<16xi32>,
        %get3A_131 = vector.shape_cast %get3A_130 : vector<16xi32> to vector<16xi32>
        %eq3A_132 = arith.constant 1 : i32
        %eq3A_133 = vector.broadcast %eq3A_132 : i32 to vector<16xi32>
        %eq3A_134 = arith.cmpi eq, %get3A_131, %eq3A_133 : vector<16xi32>
        %get3A_135 = arith.constant 112 : index
        %get3A_136 = tpu.vector_load %arg11[%get3A_135] {strides = array<i32>} : memref<128xi32, #tpu.memory_space<vmem>>, vector<16xi32>,
        %get3A_137 = vector.shape_cast %get3A_136 : vector<16xi32> to vector<16xi32>
        %broadcast_in_dim3A_138 = vector.broadcast %add3A_0 : i32 to vector<16xi32>
        %select_n3A_139 = arith.select %eq3A_134, %get3A_137, %broadcast_in_dim3A_138 : vector<16xi1>, vector<16xi32>
        %swap3A_140 = arith.constant 112 : index
        %swap3A_141 = tpu.vector_load %arg12[%swap3A_140] {strides = array<i32>} : memref<128xi32, #tpu.memory_space<vmem>>, vector<16xi32>,
        %swap3A_142 = vector.shape_cast %swap3A_141 : vector<16xi32> to vector<16xi32>
        %swap3A_143 = vector.shape_cast %select_n3A_139 : vector<16xi32> to vector<16xi32>
        tpu.vector_store %arg12[%swap3A_140], %swap3A_143 {strides = array<i32>} : memref<128xi32, #tpu.memory_space<vmem>>, vector<16xi32>,
        %dma_wait3A_144 = arith.constant 0 : i32
        %dma_wait3A_145 = arith.constant 0 : i32
        %dma_wait3A_146 = tpu.memref_slice %arg2[%dma_wait3A_144, %dma_wait3A_145] : memref<10000x64xf32, #tpu.memory_space<hbm>> -> memref<10000x64xf32, #tpu.memory_space<hbm>>
        tpu.wait_indirect_dma semaphore(%arg17 : memref<!tpu.dma_semaphore, #tpu.memory_space<semaphore_mem>>) src(%dma_wait3A_146 : memref<10000x64xf32, #tpu.memory_space<hbm>>) dst(%arg14 : memref<128x64xf32, #tpu.memory_space<vmem>>)
        "tpu.region"() ({
          %run_scoped3A = tpu.sem_alloc : memref<!tpu.dma_semaphore, #tpu.memory_space<semaphore_mem>>
          %dma_start3A_147 = arith.constant 0 : i32
          %dma_start3A_148 = arith.constant 0 : i32
          %dma_start3A_149 = tpu.memref_slice %arg15[%dma_start3A_147, %dma_start3A_148] : memref<10240x64xf32, #tpu.memory_space<vmem_shared>> -> memref<10240x64xf32, #tpu.memory_space<vmem_shared>>
          tpu.enqueue_indirect_dma source(%arg14 : memref<128x64xf32, #tpu.memory_space<vmem>>) target(%dma_start3A_149 : memref<10240x64xf32, #tpu.memory_space<vmem_shared>>) offsets(%arg11 : memref<128xi32, #tpu.memory_space<vmem>>) semaphore(%run_scoped3A : memref<!tpu.dma_semaphore, #tpu.memory_space<semaphore_mem>>) {add = true}
          %dma_wait3A_150 = arith.constant 0 : i32
          %dma_wait3A_151 = arith.constant 0 : i32
          %dma_wait3A_152 = tpu.memref_slice %arg15[%dma_wait3A_150, %dma_wait3A_151] : memref<10240x64xf32, #tpu.memory_space<vmem_shared>> -> memref<10240x64xf32, #tpu.memory_space<vmem_shared>>
          tpu.wait_indirect_dma semaphore(%run_scoped3A : memref<!tpu.dma_semaphore, #tpu.memory_space<semaphore_mem>>) src(%arg14 : memref<128x64xf32, #tpu.memory_space<vmem>>) dst(%dma_wait3A_152 : memref<10240x64xf32, #tpu.memory_space<vmem_shared>>)
          tpu.yield
        }) : () -> ()
        "tpu.region"() ({
          %run_scoped3A = tpu.sem_alloc : memref<!tpu.dma_semaphore, #tpu.memory_space<semaphore_mem>>
          %dma_start3A_147 = arith.constant 0 : i32
          %dma_start3A_148 = arith.constant 0 : i32
          %dma_start3A_149 = tpu.memref_slice %arg16[%dma_start3A_147, %dma_start3A_148] : memref<10240x64xf32, #tpu.memory_space<vmem_shared>> -> memref<10240x64xf32, #tpu.memory_space<vmem_shared>>
          tpu.enqueue_indirect_dma source(%arg14 : memref<128x64xf32, #tpu.memory_space<vmem>>) target(%dma_start3A_149 : memref<10240x64xf32, #tpu.memory_space<vmem_shared>>) offsets(%arg12 : memref<128xi32, #tpu.memory_space<vmem>>) semaphore(%run_scoped3A : memref<!tpu.dma_semaphore, #tpu.memory_space<semaphore_mem>>) {add = true}
          %dma_wait3A_150 = arith.constant 0 : i32
          %dma_wait3A_151 = arith.constant 0 : i32
          %dma_wait3A_152 = tpu.memref_slice %arg16[%dma_wait3A_150, %dma_wait3A_151] : memref<10240x64xf32, #tpu.memory_space<vmem_shared>> -> memref<10240x64xf32, #tpu.memory_space<vmem_shared>>
          tpu.wait_indirect_dma semaphore(%run_scoped3A : memref<!tpu.dma_semaphore, #tpu.memory_space<semaphore_mem>>) src(%arg14 : memref<128x64xf32, #tpu.memory_space<vmem>>) dst(%dma_wait3A_152 : memref<10240x64xf32, #tpu.memory_space<vmem_shared>>)
          tpu.yield
        }) : () -> ()
      }
      %scan3A_15 = arith.constant 157 : i32
      %barrier3A_16 = arith.constant 0 : index
      tpu.barrier barrier_id(%barrier3A_16)
      %mul3A_17 = arith.constant 640 : i32
      %mul3A_18 = arith.muli %arg1, %mul3A_17 : i32
      "tpu.region"() ({
        %run_scoped3A = tpu.sem_alloc : memref<!tpu.dma_semaphore, #tpu.memory_space<semaphore_mem>>
        %dma_start3A = arith.constant 0 : i32
        %dma_start3A_19 = tpu.memref_slice %arg8[%arg0, %mul3A_18, %dma_start3A] : memref<2x10240x64xf32, #tpu.memory_space<hbm>> -> memref<1x640x64xf32, #tpu.memory_space<hbm>>
        %dma_start3A_20 = tpu.memref_squeeze %dma_start3A_19 : memref<1x640x64xf32, #tpu.memory_space<hbm>> -> memref<640x64xf32, #tpu.memory_space<hbm>>
        %dma_start3A_21 = arith.constant 0 : i32
        %dma_start3A_22 = tpu.memref_slice %arg15[%mul3A_18, %dma_start3A_21] : memref<10240x64xf32, #tpu.memory_space<vmem_shared>> -> memref<640x64xf32, #tpu.memory_space<vmem_shared>>
        tpu.enqueue_dma source(%dma_start3A_22 : memref<640x64xf32, #tpu.memory_space<vmem_shared>>) target(%dma_start3A_20 : memref<640x64xf32, #tpu.memory_space<hbm>>) target_semaphore(%run_scoped3A : memref<!tpu.dma_semaphore, #tpu.memory_space<semaphore_mem>>)
        %dma_wait3A = arith.constant 0 : i32
        %dma_wait3A_23 = tpu.memref_slice %arg8[%arg0, %mul3A_18, %dma_wait3A] : memref<2x10240x64xf32, #tpu.memory_space<hbm>> -> memref<1x640x64xf32, #tpu.memory_space<hbm>>
        %dma_wait3A_24 = tpu.memref_squeeze %dma_wait3A_23 : memref<1x640x64xf32, #tpu.memory_space<hbm>> -> memref<640x64xf32, #tpu.memory_space<hbm>>
        %dma_wait3A_25 = arith.constant 0 : i32
        %dma_wait3A_26 = tpu.memref_slice %arg15[%mul3A_18, %dma_wait3A_25] : memref<10240x64xf32, #tpu.memory_space<vmem_shared>> -> memref<640x64xf32, #tpu.memory_space<vmem_shared>>
        tpu.wait_dma2 semaphore(%run_scoped3A : memref<!tpu.dma_semaphore, #tpu.memory_space<semaphore_mem>>) src(%dma_wait3A_26 : memref<640x64xf32, #tpu.memory_space<vmem_shared>>) dst(%dma_wait3A_24 : memref<640x64xf32, #tpu.memory_space<hbm>>)
        tpu.yield
      }) : () -> ()
      "tpu.region"() ({
        %run_scoped3A = tpu.sem_alloc : memref<!tpu.dma_semaphore, #tpu.memory_space<semaphore_mem>>
        %dma_start3A = arith.constant 0 : i32
        %dma_start3A_19 = tpu.memref_slice %arg9[%arg0, %mul3A_18, %dma_start3A] : memref<2x10240x64xf32, #tpu.memory_space<hbm>> -> memref<1x640x64xf32, #tpu.memory_space<hbm>>
        %dma_start3A_20 = tpu.memref_squeeze %dma_start3A_19 : memref<1x640x64xf32, #tpu.memory_space<hbm>> -> memref<640x64xf32, #tpu.memory_space<hbm>>
        %dma_start3A_21 = arith.constant 0 : i32
        %dma_start3A_22 = tpu.memref_slice %arg16[%mul3A_18, %dma_start3A_21] : memref<10240x64xf32, #tpu.memory_space<vmem_shared>> -> memref<640x64xf32, #tpu.memory_space<vmem_shared>>
        tpu.enqueue_dma source(%dma_start3A_22 : memref<640x64xf32, #tpu.memory_space<vmem_shared>>) target(%dma_start3A_20 : memref<640x64xf32, #tpu.memory_space<hbm>>) target_semaphore(%run_scoped3A : memref<!tpu.dma_semaphore, #tpu.memory_space<semaphore_mem>>)
        %dma_wait3A = arith.constant 0 : i32
        %dma_wait3A_23 = tpu.memref_slice %arg9[%arg0, %mul3A_18, %dma_wait3A] : memref<2x10240x64xf32, #tpu.memory_space<hbm>> -> memref<1x640x64xf32, #tpu.memory_space<hbm>>
        %dma_wait3A_24 = tpu.memref_squeeze %dma_wait3A_23 : memref<1x640x64xf32, #tpu.memory_space<hbm>> -> memref<640x64xf32, #tpu.memory_space<hbm>>
        %dma_wait3A_25 = arith.constant 0 : i32
        %dma_wait3A_26 = tpu.memref_slice %arg16[%mul3A_18, %dma_wait3A_25] : memref<10240x64xf32, #tpu.memory_space<vmem_shared>> -> memref<640x64xf32, #tpu.memory_space<vmem_shared>>
        tpu.wait_dma2 semaphore(%run_scoped3A : memref<!tpu.dma_semaphore, #tpu.memory_space<semaphore_mem>>) src(%dma_wait3A_26 : memref<640x64xf32, #tpu.memory_space<vmem_shared>>) dst(%dma_wait3A_24 : memref<640x64xf32, #tpu.memory_space<hbm>>)
        tpu.yield
      }) : () -> ()
    } else {
    }
    %eq3A_3 = arith.constant 1 : i32
    %eq3A_4 = arith.cmpi eq, %arg0, %eq3A_3 : i32
    %convert_element_type3A_5 = arith.extui %eq3A_4 : i1 to i32
    %cond3A_6 = arith.constant 0 : i32
    %cond3A_7 = arith.cmpi ne, %convert_element_type3A_5, %cond3A_6 : i32
    scf.if %cond3A_7 {
      %mul3A = arith.constant 640 : i32
      %mul3A_8 = arith.muli %arg1, %mul3A : i32
      "tpu.region"() ({
        %run_scoped3A = tpu.sem_alloc : memref<!tpu.dma_semaphore, #tpu.memory_space<semaphore_mem>>
        %dma_start3A = arith.constant 0 : i32
        %dma_start3A_19 = tpu.memref_slice %arg15[%mul3A_8, %dma_start3A] : memref<10240x64xf32, #tpu.memory_space<vmem_shared>> -> memref<640x64xf32, #tpu.memory_space<vmem_shared>>
        %dma_start3A_20 = arith.constant 0 : i32
        %dma_start3A_21 = tpu.memref_slice %arg7[%mul3A_8, %dma_start3A_20] : memref<10240x64xf32, #tpu.memory_space<hbm>> -> memref<640x64xf32, #tpu.memory_space<hbm>>
        tpu.enqueue_dma source(%dma_start3A_21 : memref<640x64xf32, #tpu.memory_space<hbm>>) target(%dma_start3A_19 : memref<640x64xf32, #tpu.memory_space<vmem_shared>>) target_semaphore(%run_scoped3A : memref<!tpu.dma_semaphore, #tpu.memory_space<semaphore_mem>>)
        %dma_wait3A = arith.constant 0 : i32
        %dma_wait3A_22 = tpu.memref_slice %arg15[%mul3A_8, %dma_wait3A] : memref<10240x64xf32, #tpu.memory_space<vmem_shared>> -> memref<640x64xf32, #tpu.memory_space<vmem_shared>>
        %dma_wait3A_23 = arith.constant 0 : i32
        %dma_wait3A_24 = tpu.memref_slice %arg7[%mul3A_8, %dma_wait3A_23] : memref<10240x64xf32, #tpu.memory_space<hbm>> -> memref<640x64xf32, #tpu.memory_space<hbm>>
        tpu.wait_dma2 semaphore(%run_scoped3A : memref<!tpu.dma_semaphore, #tpu.memory_space<semaphore_mem>>) src(%dma_wait3A_24 : memref<640x64xf32, #tpu.memory_space<hbm>>) dst(%dma_wait3A_22 : memref<640x64xf32, #tpu.memory_space<vmem_shared>>)
        tpu.yield
      }) : () -> ()
      "tpu.region"() ({
        %run_scoped3A = tpu.sem_alloc : memref<!tpu.dma_semaphore, #tpu.memory_space<semaphore_mem>>
        %dma_start3A = arith.constant 0 : i32
        %dma_start3A_19 = tpu.memref_slice %arg16[%mul3A_8, %dma_start3A] : memref<10240x64xf32, #tpu.memory_space<vmem_shared>> -> memref<640x64xf32, #tpu.memory_space<vmem_shared>>
        %dma_start3A_20 = arith.constant 0 : i32
        %dma_start3A_21 = tpu.memref_slice %arg7[%mul3A_8, %dma_start3A_20] : memref<10240x64xf32, #tpu.memory_space<hbm>> -> memref<640x64xf32, #tpu.memory_space<hbm>>
        tpu.enqueue_dma source(%dma_start3A_21 : memref<640x64xf32, #tpu.memory_space<hbm>>) target(%dma_start3A_19 : memref<640x64xf32, #tpu.memory_space<vmem_shared>>) target_semaphore(%run_scoped3A : memref<!tpu.dma_semaphore, #tpu.memory_space<semaphore_mem>>)
        %dma_wait3A = arith.constant 0 : i32
        %dma_wait3A_22 = tpu.memref_slice %arg16[%mul3A_8, %dma_wait3A] : memref<10240x64xf32, #tpu.memory_space<vmem_shared>> -> memref<640x64xf32, #tpu.memory_space<vmem_shared>>
        %dma_wait3A_23 = arith.constant 0 : i32
        %dma_wait3A_24 = tpu.memref_slice %arg7[%mul3A_8, %dma_wait3A_23] : memref<10240x64xf32, #tpu.memory_space<hbm>> -> memref<640x64xf32, #tpu.memory_space<hbm>>
        tpu.wait_dma2 semaphore(%run_scoped3A : memref<!tpu.dma_semaphore, #tpu.memory_space<semaphore_mem>>) src(%dma_wait3A_24 : memref<640x64xf32, #tpu.memory_space<hbm>>) dst(%dma_wait3A_22 : memref<640x64xf32, #tpu.memory_space<vmem_shared>>)
        tpu.yield
      }) : () -> ()
      %barrier3A = arith.constant 0 : index
      tpu.barrier barrier_id(%barrier3A)
      %mul3A_9 = arith.constant 20096 : i32
      %mul3A_10 = arith.muli %arg1, %mul3A_9 : i32
      %scan3A = arith.constant 0 : i32
      %scan3A_11 = arith.constant 0 : i32
      %scan3A_12 = arith.constant 157 : i32
      %scan3A_13 = arith.addi %scan3A_11, %scan3A_12 : i32
      %scan3A_14 = arith.constant 1 : i32
      scf.for %scan3A_19 = %scan3A_11 to %scan3A_13 step %scan3A_14  : i32 {
        %mul3A_20 = arith.constant 128 : i32
        %mul3A_21 = arith.muli %scan3A_19, %mul3A_20 : i32
        %add3A_22 = arith.addi %mul3A_10, %mul3A_21 : i32
        "tpu.region"() ({
          %run_scoped3A = tpu.sem_alloc : memref<!tpu.dma_semaphore, #tpu.memory_space<semaphore_mem>>
          %dma_start3A_147 = tpu.memref_slice %arg4[%add3A_22] : memref<321536xi32, #tpu.memory_space<hbm>> -> memref<128xi32, #tpu.memory_space<hbm>>
          %dma_start3A_148 = tpu.memref_slice %arg4[%add3A_22] : memref<321536xi32, #tpu.memory_space<hbm>> -> memref<128xi32, #tpu.memory_space<hbm>>
          tpu.enqueue_dma source(%dma_start3A_148 : memref<128xi32, #tpu.memory_space<hbm>>) target(%arg10 : memref<128xi32, #tpu.memory_space<vmem>>) target_semaphore(%run_scoped3A : memref<!tpu.dma_semaphore, #tpu.memory_space<semaphore_mem>>)
          %dma_wait3A_149 = tpu.memref_slice %arg4[%add3A_22] : memref<321536xi32, #tpu.memory_space<hbm>> -> memref<128xi32, #tpu.memory_space<hbm>>
          %dma_wait3A_150 = tpu.memref_slice %arg4[%add3A_22] : memref<321536xi32, #tpu.memory_space<hbm>> -> memref<128xi32, #tpu.memory_space<hbm>>
          tpu.wait_dma2 semaphore(%run_scoped3A : memref<!tpu.dma_semaphore, #tpu.memory_space<semaphore_mem>>) src(%dma_wait3A_150 : memref<128xi32, #tpu.memory_space<hbm>>) dst(%arg10 : memref<128xi32, #tpu.memory_space<vmem>>)
          tpu.yield
        }) : () -> ()
        "tpu.region"() ({
          %run_scoped3A = tpu.sem_alloc : memref<!tpu.dma_semaphore, #tpu.memory_space<semaphore_mem>>
          %dma_start3A_147 = tpu.memref_slice %arg5[%add3A_22] : memref<321536xi32, #tpu.memory_space<hbm>> -> memref<128xi32, #tpu.memory_space<hbm>>
          %dma_start3A_148 = tpu.memref_slice %arg5[%add3A_22] : memref<321536xi32, #tpu.memory_space<hbm>> -> memref<128xi32, #tpu.memory_space<hbm>>
          tpu.enqueue_dma source(%dma_start3A_148 : memref<128xi32, #tpu.memory_space<hbm>>) target(%arg11 : memref<128xi32, #tpu.memory_space<vmem>>) target_semaphore(%run_scoped3A : memref<!tpu.dma_semaphore, #tpu.memory_space<semaphore_mem>>)
          %dma_wait3A_149 = tpu.memref_slice %arg5[%add3A_22] : memref<321536xi32, #tpu.memory_space<hbm>> -> memref<128xi32, #tpu.memory_space<hbm>>
          %dma_wait3A_150 = tpu.memref_slice %arg5[%add3A_22] : memref<321536xi32, #tpu.memory_space<hbm>> -> memref<128xi32, #tpu.memory_space<hbm>>
          tpu.wait_dma2 semaphore(%run_scoped3A : memref<!tpu.dma_semaphore, #tpu.memory_space<semaphore_mem>>) src(%dma_wait3A_150 : memref<128xi32, #tpu.memory_space<hbm>>) dst(%arg11 : memref<128xi32, #tpu.memory_space<vmem>>)
          tpu.yield
        }) : () -> ()
        %dma_start3A = arith.constant 0 : i32
        %dma_start3A_23 = arith.constant 0 : i32
        %dma_start3A_24 = tpu.memref_slice %arg3[%dma_start3A, %dma_start3A_23] : memref<10000x64xf32, #tpu.memory_space<hbm>> -> memref<10000x64xf32, #tpu.memory_space<hbm>>
        tpu.enqueue_indirect_dma source(%dma_start3A_24 : memref<10000x64xf32, #tpu.memory_space<hbm>>) target(%arg14 : memref<128x64xf32, #tpu.memory_space<vmem>>) offsets(%arg10 : memref<128xi32, #tpu.memory_space<vmem>>) semaphore(%arg17 : memref<!tpu.dma_semaphore, #tpu.memory_space<semaphore_mem>>)
        %dma_start3A_25 = arith.constant 0 : i32
        %dma_start3A_26 = tpu.memref_slice %arg6[%dma_start3A_25] : memref<10000xi32, #tpu.memory_space<hbm>> -> memref<10000xi32, #tpu.memory_space<hbm>>
        tpu.enqueue_indirect_dma source(%dma_start3A_26 : memref<10000xi32, #tpu.memory_space<hbm>>) target(%arg13 : memref<128xi32, #tpu.memory_space<vmem>>) offsets(%arg10 : memref<128xi32, #tpu.memory_space<vmem>>) semaphore(%arg18 : memref<!tpu.dma_semaphore, #tpu.memory_space<semaphore_mem>>)
        %dma_wait3A = arith.constant 0 : i32
        %dma_wait3A_27 = tpu.memref_slice %arg6[%dma_wait3A] : memref<10000xi32, #tpu.memory_space<hbm>> -> memref<10000xi32, #tpu.memory_space<hbm>>
        tpu.wait_indirect_dma semaphore(%arg18 : memref<!tpu.dma_semaphore, #tpu.memory_space<semaphore_mem>>) src(%dma_wait3A_27 : memref<10000xi32, #tpu.memory_space<hbm>>) dst(%arg13 : memref<128xi32, #tpu.memory_space<vmem>>)
        %get3A = arith.constant 0 : index
        %get3A_28 = tpu.vector_load %arg13[%get3A] {strides = array<i32>} : memref<128xi32, #tpu.memory_space<vmem>>, vector<16xi32>,
        %get3A_29 = vector.shape_cast %get3A_28 : vector<16xi32> to vector<16xi32>
        %eq3A_30 = arith.constant 1 : i32
        %eq3A_31 = vector.broadcast %eq3A_30 : i32 to vector<16xi32>
        %eq3A_32 = arith.cmpi eq, %get3A_29, %eq3A_31 : vector<16xi32>
        %get3A_33 = arith.constant 0 : index
        %get3A_34 = tpu.vector_load %arg11[%get3A_33] {strides = array<i32>} : memref<128xi32, #tpu.memory_space<vmem>>, vector<16xi32>,
        %get3A_35 = vector.shape_cast %get3A_34 : vector<16xi32> to vector<16xi32>
        %broadcast_in_dim3A = vector.broadcast %add3A_0 : i32 to vector<16xi32>
        %select_n3A = arith.select %eq3A_32, %get3A_35, %broadcast_in_dim3A : vector<16xi1>, vector<16xi32>
        %swap3A = arith.constant 0 : index
        %swap3A_36 = tpu.vector_load %arg12[%swap3A] {strides = array<i32>} : memref<128xi32, #tpu.memory_space<vmem>>, vector<16xi32>,
        %swap3A_37 = vector.shape_cast %swap3A_36 : vector<16xi32> to vector<16xi32>
        %swap3A_38 = vector.shape_cast %select_n3A : vector<16xi32> to vector<16xi32>
        tpu.vector_store %arg12[%swap3A], %swap3A_38 {strides = array<i32>} : memref<128xi32, #tpu.memory_space<vmem>>, vector<16xi32>,
        %get3A_39 = arith.constant 16 : index
        %get3A_40 = tpu.vector_load %arg13[%get3A_39] {strides = array<i32>} : memref<128xi32, #tpu.memory_space<vmem>>, vector<16xi32>,
        %get3A_41 = vector.shape_cast %get3A_40 : vector<16xi32> to vector<16xi32>
        %eq3A_42 = arith.constant 1 : i32
        %eq3A_43 = vector.broadcast %eq3A_42 : i32 to vector<16xi32>
        %eq3A_44 = arith.cmpi eq, %get3A_41, %eq3A_43 : vector<16xi32>
        %get3A_45 = arith.constant 16 : index
        %get3A_46 = tpu.vector_load %arg11[%get3A_45] {strides = array<i32>} : memref<128xi32, #tpu.memory_space<vmem>>, vector<16xi32>,
        %get3A_47 = vector.shape_cast %get3A_46 : vector<16xi32> to vector<16xi32>
        %broadcast_in_dim3A_48 = vector.broadcast %add3A_0 : i32 to vector<16xi32>
        %select_n3A_49 = arith.select %eq3A_44, %get3A_47, %broadcast_in_dim3A_48 : vector<16xi1>, vector<16xi32>
        %swap3A_50 = arith.constant 16 : index
        %swap3A_51 = tpu.vector_load %arg12[%swap3A_50] {strides = array<i32>} : memref<128xi32, #tpu.memory_space<vmem>>, vector<16xi32>,
        %swap3A_52 = vector.shape_cast %swap3A_51 : vector<16xi32> to vector<16xi32>
        %swap3A_53 = vector.shape_cast %select_n3A_49 : vector<16xi32> to vector<16xi32>
        tpu.vector_store %arg12[%swap3A_50], %swap3A_53 {strides = array<i32>} : memref<128xi32, #tpu.memory_space<vmem>>, vector<16xi32>,
        %get3A_54 = arith.constant 32 : index
        %get3A_55 = tpu.vector_load %arg13[%get3A_54] {strides = array<i32>} : memref<128xi32, #tpu.memory_space<vmem>>, vector<16xi32>,
        %get3A_56 = vector.shape_cast %get3A_55 : vector<16xi32> to vector<16xi32>
        %eq3A_57 = arith.constant 1 : i32
        %eq3A_58 = vector.broadcast %eq3A_57 : i32 to vector<16xi32>
        %eq3A_59 = arith.cmpi eq, %get3A_56, %eq3A_58 : vector<16xi32>
        %get3A_60 = arith.constant 32 : index
        %get3A_61 = tpu.vector_load %arg11[%get3A_60] {strides = array<i32>} : memref<128xi32, #tpu.memory_space<vmem>>, vector<16xi32>,
        %get3A_62 = vector.shape_cast %get3A_61 : vector<16xi32> to vector<16xi32>
        %broadcast_in_dim3A_63 = vector.broadcast %add3A_0 : i32 to vector<16xi32>
        %select_n3A_64 = arith.select %eq3A_59, %get3A_62, %broadcast_in_dim3A_63 : vector<16xi1>, vector<16xi32>
        %swap3A_65 = arith.constant 32 : index
        %swap3A_66 = tpu.vector_load %arg12[%swap3A_65] {strides = array<i32>} : memref<128xi32, #tpu.memory_space<vmem>>, vector<16xi32>,
        %swap3A_67 = vector.shape_cast %swap3A_66 : vector<16xi32> to vector<16xi32>
        %swap3A_68 = vector.shape_cast %select_n3A_64 : vector<16xi32> to vector<16xi32>
        tpu.vector_store %arg12[%swap3A_65], %swap3A_68 {strides = array<i32>} : memref<128xi32, #tpu.memory_space<vmem>>, vector<16xi32>,
        %get3A_69 = arith.constant 48 : index
        %get3A_70 = tpu.vector_load %arg13[%get3A_69] {strides = array<i32>} : memref<128xi32, #tpu.memory_space<vmem>>, vector<16xi32>,
        %get3A_71 = vector.shape_cast %get3A_70 : vector<16xi32> to vector<16xi32>
        %eq3A_72 = arith.constant 1 : i32
        %eq3A_73 = vector.broadcast %eq3A_72 : i32 to vector<16xi32>
        %eq3A_74 = arith.cmpi eq, %get3A_71, %eq3A_73 : vector<16xi32>
        %get3A_75 = arith.constant 48 : index
        %get3A_76 = tpu.vector_load %arg11[%get3A_75] {strides = array<i32>} : memref<128xi32, #tpu.memory_space<vmem>>, vector<16xi32>,
        %get3A_77 = vector.shape_cast %get3A_76 : vector<16xi32> to vector<16xi32>
        %broadcast_in_dim3A_78 = vector.broadcast %add3A_0 : i32 to vector<16xi32>
        %select_n3A_79 = arith.select %eq3A_74, %get3A_77, %broadcast_in_dim3A_78 : vector<16xi1>, vector<16xi32>
        %swap3A_80 = arith.constant 48 : index
        %swap3A_81 = tpu.vector_load %arg12[%swap3A_80] {strides = array<i32>} : memref<128xi32, #tpu.memory_space<vmem>>, vector<16xi32>,
        %swap3A_82 = vector.shape_cast %swap3A_81 : vector<16xi32> to vector<16xi32>
        %swap3A_83 = vector.shape_cast %select_n3A_79 : vector<16xi32> to vector<16xi32>
        tpu.vector_store %arg12[%swap3A_80], %swap3A_83 {strides = array<i32>} : memref<128xi32, #tpu.memory_space<vmem>>, vector<16xi32>,
        %get3A_84 = arith.constant 64 : index
        %get3A_85 = tpu.vector_load %arg13[%get3A_84] {strides = array<i32>} : memref<128xi32, #tpu.memory_space<vmem>>, vector<16xi32>,
        %get3A_86 = vector.shape_cast %get3A_85 : vector<16xi32> to vector<16xi32>
        %eq3A_87 = arith.constant 1 : i32
        %eq3A_88 = vector.broadcast %eq3A_87 : i32 to vector<16xi32>
        %eq3A_89 = arith.cmpi eq, %get3A_86, %eq3A_88 : vector<16xi32>
        %get3A_90 = arith.constant 64 : index
        %get3A_91 = tpu.vector_load %arg11[%get3A_90] {strides = array<i32>} : memref<128xi32, #tpu.memory_space<vmem>>, vector<16xi32>,
        %get3A_92 = vector.shape_cast %get3A_91 : vector<16xi32> to vector<16xi32>
        %broadcast_in_dim3A_93 = vector.broadcast %add3A_0 : i32 to vector<16xi32>
        %select_n3A_94 = arith.select %eq3A_89, %get3A_92, %broadcast_in_dim3A_93 : vector<16xi1>, vector<16xi32>
        %swap3A_95 = arith.constant 64 : index
        %swap3A_96 = tpu.vector_load %arg12[%swap3A_95] {strides = array<i32>} : memref<128xi32, #tpu.memory_space<vmem>>, vector<16xi32>,
        %swap3A_97 = vector.shape_cast %swap3A_96 : vector<16xi32> to vector<16xi32>
        %swap3A_98 = vector.shape_cast %select_n3A_94 : vector<16xi32> to vector<16xi32>
        tpu.vector_store %arg12[%swap3A_95], %swap3A_98 {strides = array<i32>} : memref<128xi32, #tpu.memory_space<vmem>>, vector<16xi32>,
        %get3A_99 = arith.constant 80 : index
        %get3A_100 = tpu.vector_load %arg13[%get3A_99] {strides = array<i32>} : memref<128xi32, #tpu.memory_space<vmem>>, vector<16xi32>,
        %get3A_101 = vector.shape_cast %get3A_100 : vector<16xi32> to vector<16xi32>
        %eq3A_102 = arith.constant 1 : i32
        %eq3A_103 = vector.broadcast %eq3A_102 : i32 to vector<16xi32>
        %eq3A_104 = arith.cmpi eq, %get3A_101, %eq3A_103 : vector<16xi32>
        %get3A_105 = arith.constant 80 : index
        %get3A_106 = tpu.vector_load %arg11[%get3A_105] {strides = array<i32>} : memref<128xi32, #tpu.memory_space<vmem>>, vector<16xi32>,
        %get3A_107 = vector.shape_cast %get3A_106 : vector<16xi32> to vector<16xi32>
        %broadcast_in_dim3A_108 = vector.broadcast %add3A_0 : i32 to vector<16xi32>
        %select_n3A_109 = arith.select %eq3A_104, %get3A_107, %broadcast_in_dim3A_108 : vector<16xi1>, vector<16xi32>
        %swap3A_110 = arith.constant 80 : index
        %swap3A_111 = tpu.vector_load %arg12[%swap3A_110] {strides = array<i32>} : memref<128xi32, #tpu.memory_space<vmem>>, vector<16xi32>,
        %swap3A_112 = vector.shape_cast %swap3A_111 : vector<16xi32> to vector<16xi32>
        %swap3A_113 = vector.shape_cast %select_n3A_109 : vector<16xi32> to vector<16xi32>
        tpu.vector_store %arg12[%swap3A_110], %swap3A_113 {strides = array<i32>} : memref<128xi32, #tpu.memory_space<vmem>>, vector<16xi32>,
        %get3A_114 = arith.constant 96 : index
        %get3A_115 = tpu.vector_load %arg13[%get3A_114] {strides = array<i32>} : memref<128xi32, #tpu.memory_space<vmem>>, vector<16xi32>,
        %get3A_116 = vector.shape_cast %get3A_115 : vector<16xi32> to vector<16xi32>
        %eq3A_117 = arith.constant 1 : i32
        %eq3A_118 = vector.broadcast %eq3A_117 : i32 to vector<16xi32>
        %eq3A_119 = arith.cmpi eq, %get3A_116, %eq3A_118 : vector<16xi32>
        %get3A_120 = arith.constant 96 : index
        %get3A_121 = tpu.vector_load %arg11[%get3A_120] {strides = array<i32>} : memref<128xi32, #tpu.memory_space<vmem>>, vector<16xi32>,
        %get3A_122 = vector.shape_cast %get3A_121 : vector<16xi32> to vector<16xi32>
        %broadcast_in_dim3A_123 = vector.broadcast %add3A_0 : i32 to vector<16xi32>
        %select_n3A_124 = arith.select %eq3A_119, %get3A_122, %broadcast_in_dim3A_123 : vector<16xi1>, vector<16xi32>
        %swap3A_125 = arith.constant 96 : index
        %swap3A_126 = tpu.vector_load %arg12[%swap3A_125] {strides = array<i32>} : memref<128xi32, #tpu.memory_space<vmem>>, vector<16xi32>,
        %swap3A_127 = vector.shape_cast %swap3A_126 : vector<16xi32> to vector<16xi32>
        %swap3A_128 = vector.shape_cast %select_n3A_124 : vector<16xi32> to vector<16xi32>
        tpu.vector_store %arg12[%swap3A_125], %swap3A_128 {strides = array<i32>} : memref<128xi32, #tpu.memory_space<vmem>>, vector<16xi32>,
        %get3A_129 = arith.constant 112 : index
        %get3A_130 = tpu.vector_load %arg13[%get3A_129] {strides = array<i32>} : memref<128xi32, #tpu.memory_space<vmem>>, vector<16xi32>,
        %get3A_131 = vector.shape_cast %get3A_130 : vector<16xi32> to vector<16xi32>
        %eq3A_132 = arith.constant 1 : i32
        %eq3A_133 = vector.broadcast %eq3A_132 : i32 to vector<16xi32>
        %eq3A_134 = arith.cmpi eq, %get3A_131, %eq3A_133 : vector<16xi32>
        %get3A_135 = arith.constant 112 : index
        %get3A_136 = tpu.vector_load %arg11[%get3A_135] {strides = array<i32>} : memref<128xi32, #tpu.memory_space<vmem>>, vector<16xi32>,
        %get3A_137 = vector.shape_cast %get3A_136 : vector<16xi32> to vector<16xi32>
        %broadcast_in_dim3A_138 = vector.broadcast %add3A_0 : i32 to vector<16xi32>
        %select_n3A_139 = arith.select %eq3A_134, %get3A_137, %broadcast_in_dim3A_138 : vector<16xi1>, vector<16xi32>
        %swap3A_140 = arith.constant 112 : index
        %swap3A_141 = tpu.vector_load %arg12[%swap3A_140] {strides = array<i32>} : memref<128xi32, #tpu.memory_space<vmem>>, vector<16xi32>,
        %swap3A_142 = vector.shape_cast %swap3A_141 : vector<16xi32> to vector<16xi32>
        %swap3A_143 = vector.shape_cast %select_n3A_139 : vector<16xi32> to vector<16xi32>
        tpu.vector_store %arg12[%swap3A_140], %swap3A_143 {strides = array<i32>} : memref<128xi32, #tpu.memory_space<vmem>>, vector<16xi32>,
        %dma_wait3A_144 = arith.constant 0 : i32
        %dma_wait3A_145 = arith.constant 0 : i32
        %dma_wait3A_146 = tpu.memref_slice %arg3[%dma_wait3A_144, %dma_wait3A_145] : memref<10000x64xf32, #tpu.memory_space<hbm>> -> memref<10000x64xf32, #tpu.memory_space<hbm>>
        tpu.wait_indirect_dma semaphore(%arg17 : memref<!tpu.dma_semaphore, #tpu.memory_space<semaphore_mem>>) src(%dma_wait3A_146 : memref<10000x64xf32, #tpu.memory_space<hbm>>) dst(%arg14 : memref<128x64xf32, #tpu.memory_space<vmem>>)
        "tpu.region"() ({
          %run_scoped3A = tpu.sem_alloc : memref<!tpu.dma_semaphore, #tpu.memory_space<semaphore_mem>>
          %dma_start3A_147 = arith.constant 0 : i32
          %dma_start3A_148 = arith.constant 0 : i32
          %dma_start3A_149 = tpu.memref_slice %arg15[%dma_start3A_147, %dma_start3A_148] : memref<10240x64xf32, #tpu.memory_space<vmem_shared>> -> memref<10240x64xf32, #tpu.memory_space<vmem_shared>>
          tpu.enqueue_indirect_dma source(%arg14 : memref<128x64xf32, #tpu.memory_space<vmem>>) target(%dma_start3A_149 : memref<10240x64xf32, #tpu.memory_space<vmem_shared>>) offsets(%arg11 : memref<128xi32, #tpu.memory_space<vmem>>) semaphore(%run_scoped3A : memref<!tpu.dma_semaphore, #tpu.memory_space<semaphore_mem>>) {add = true}
          %dma_wait3A_150 = arith.constant 0 : i32
          %dma_wait3A_151 = arith.constant 0 : i32
          %dma_wait3A_152 = tpu.memref_slice %arg15[%dma_wait3A_150, %dma_wait3A_151] : memref<10240x64xf32, #tpu.memory_space<vmem_shared>> -> memref<10240x64xf32, #tpu.memory_space<vmem_shared>>
          tpu.wait_indirect_dma semaphore(%run_scoped3A : memref<!tpu.dma_semaphore, #tpu.memory_space<semaphore_mem>>) src(%arg14 : memref<128x64xf32, #tpu.memory_space<vmem>>) dst(%dma_wait3A_152 : memref<10240x64xf32, #tpu.memory_space<vmem_shared>>)
          tpu.yield
        }) : () -> ()
        "tpu.region"() ({
          %run_scoped3A = tpu.sem_alloc : memref<!tpu.dma_semaphore, #tpu.memory_space<semaphore_mem>>
          %dma_start3A_147 = arith.constant 0 : i32
          %dma_start3A_148 = arith.constant 0 : i32
          %dma_start3A_149 = tpu.memref_slice %arg16[%dma_start3A_147, %dma_start3A_148] : memref<10240x64xf32, #tpu.memory_space<vmem_shared>> -> memref<10240x64xf32, #tpu.memory_space<vmem_shared>>
          tpu.enqueue_indirect_dma source(%arg14 : memref<128x64xf32, #tpu.memory_space<vmem>>) target(%dma_start3A_149 : memref<10240x64xf32, #tpu.memory_space<vmem_shared>>) offsets(%arg12 : memref<128xi32, #tpu.memory_space<vmem>>) semaphore(%run_scoped3A : memref<!tpu.dma_semaphore, #tpu.memory_space<semaphore_mem>>) {add = true}
          %dma_wait3A_150 = arith.constant 0 : i32
          %dma_wait3A_151 = arith.constant 0 : i32
          %dma_wait3A_152 = tpu.memref_slice %arg16[%dma_wait3A_150, %dma_wait3A_151] : memref<10240x64xf32, #tpu.memory_space<vmem_shared>> -> memref<10240x64xf32, #tpu.memory_space<vmem_shared>>
          tpu.wait_indirect_dma semaphore(%run_scoped3A : memref<!tpu.dma_semaphore, #tpu.memory_space<semaphore_mem>>) src(%arg14 : memref<128x64xf32, #tpu.memory_space<vmem>>) dst(%dma_wait3A_152 : memref<10240x64xf32, #tpu.memory_space<vmem_shared>>)
          tpu.yield
        }) : () -> ()
      }
      %scan3A_15 = arith.constant 157 : i32
      %barrier3A_16 = arith.constant 0 : index
      tpu.barrier barrier_id(%barrier3A_16)
      %mul3A_17 = arith.constant 640 : i32
      %mul3A_18 = arith.muli %arg1, %mul3A_17 : i32
      "tpu.region"() ({
        %run_scoped3A = tpu.sem_alloc : memref<!tpu.dma_semaphore, #tpu.memory_space<semaphore_mem>>
        %dma_start3A = arith.constant 0 : i32
        %dma_start3A_19 = tpu.memref_slice %arg8[%arg0, %mul3A_18, %dma_start3A] : memref<2x10240x64xf32, #tpu.memory_space<hbm>> -> memref<1x640x64xf32, #tpu.memory_space<hbm>>
        %dma_start3A_20 = tpu.memref_squeeze %dma_start3A_19 : memref<1x640x64xf32, #tpu.memory_space<hbm>> -> memref<640x64xf32, #tpu.memory_space<hbm>>
        %dma_start3A_21 = arith.constant 0 : i32
        %dma_start3A_22 = tpu.memref_slice %arg15[%mul3A_18, %dma_start3A_21] : memref<10240x64xf32, #tpu.memory_space<vmem_shared>> -> memref<640x64xf32, #tpu.memory_space<vmem_shared>>
        tpu.enqueue_dma source(%dma_start3A_22 : memref<640x64xf32, #tpu.memory_space<vmem_shared>>) target(%dma_start3A_20 : memref<640x64xf32, #tpu.memory_space<hbm>>) target_semaphore(%run_scoped3A : memref<!tpu.dma_semaphore, #tpu.memory_space<semaphore_mem>>)
        %dma_wait3A = arith.constant 0 : i32
        %dma_wait3A_23 = tpu.memref_slice %arg8[%arg0, %mul3A_18, %dma_wait3A] : memref<2x10240x64xf32, #tpu.memory_space<hbm>> -> memref<1x640x64xf32, #tpu.memory_space<hbm>>
        %dma_wait3A_24 = tpu.memref_squeeze %dma_wait3A_23 : memref<1x640x64xf32, #tpu.memory_space<hbm>> -> memref<640x64xf32, #tpu.memory_space<hbm>>
        %dma_wait3A_25 = arith.constant 0 : i32
        %dma_wait3A_26 = tpu.memref_slice %arg15[%mul3A_18, %dma_wait3A_25] : memref<10240x64xf32, #tpu.memory_space<vmem_shared>> -> memref<640x64xf32, #tpu.memory_space<vmem_shared>>
        tpu.wait_dma2 semaphore(%run_scoped3A : memref<!tpu.dma_semaphore, #tpu.memory_space<semaphore_mem>>) src(%dma_wait3A_26 : memref<640x64xf32, #tpu.memory_space<vmem_shared>>) dst(%dma_wait3A_24 : memref<640x64xf32, #tpu.memory_space<hbm>>)
        tpu.yield
      }) : () -> ()
      "tpu.region"() ({
        %run_scoped3A = tpu.sem_alloc : memref<!tpu.dma_semaphore, #tpu.memory_space<semaphore_mem>>
        %dma_start3A = arith.constant 0 : i32
        %dma_start3A_19 = tpu.memref_slice %arg9[%arg0, %mul3A_18, %dma_start3A] : memref<2x10240x64xf32, #tpu.memory_space<hbm>> -> memref<1x640x64xf32, #tpu.memory_space<hbm>>
        %dma_start3A_20 = tpu.memref_squeeze %dma_start3A_19 : memref<1x640x64xf32, #tpu.memory_space<hbm>> -> memref<640x64xf32, #tpu.memory_space<hbm>>
        %dma_start3A_21 = arith.constant 0 : i32
        %dma_start3A_22 = tpu.memref_slice %arg16[%mul3A_18, %dma_start3A_21] : memref<10240x64xf32, #tpu.memory_space<vmem_shared>> -> memref<640x64xf32, #tpu.memory_space<vmem_shared>>
        tpu.enqueue_dma source(%dma_start3A_22 : memref<640x64xf32, #tpu.memory_space<vmem_shared>>) target(%dma_start3A_20 : memref<640x64xf32, #tpu.memory_space<hbm>>) target_semaphore(%run_scoped3A : memref<!tpu.dma_semaphore, #tpu.memory_space<semaphore_mem>>)
        %dma_wait3A = arith.constant 0 : i32
        %dma_wait3A_23 = tpu.memref_slice %arg9[%arg0, %mul3A_18, %dma_wait3A] : memref<2x10240x64xf32, #tpu.memory_space<hbm>> -> memref<1x640x64xf32, #tpu.memory_space<hbm>>
        %dma_wait3A_24 = tpu.memref_squeeze %dma_wait3A_23 : memref<1x640x64xf32, #tpu.memory_space<hbm>> -> memref<640x64xf32, #tpu.memory_space<hbm>>
        %dma_wait3A_25 = arith.constant 0 : i32
        %dma_wait3A_26 = tpu.memref_slice %arg16[%mul3A_18, %dma_wait3A_25] : memref<10240x64xf32, #tpu.memory_space<vmem_shared>> -> memref<640x64xf32, #tpu.memory_space<vmem_shared>>
        tpu.wait_dma2 semaphore(%run_scoped3A : memref<!tpu.dma_semaphore, #tpu.memory_space<semaphore_mem>>) src(%dma_wait3A_26 : memref<640x64xf32, #tpu.memory_space<vmem_shared>>) dst(%dma_wait3A_24 : memref<640x64xf32, #tpu.memory_space<hbm>>)
        tpu.yield
      }) : () -> ()
    } else {
    }
    return
  }
}

module attributes {stable_mosaic.version = 14 : i64} {
  func.func @body(%arg0: i32, %arg1: memref<2xf32, #tpu.memory_space<smem>>, %arg2: memref<2000x128xf32, #tpu.memory_space<vmem>>, %arg3: memref<2x2000x64xf32, #tpu.memory_space<vmem>>, %arg4: memref<2x2000x64xf32, #tpu.memory_space<vmem>>, %arg5: memref<128x128xf32, #tpu.memory_space<vmem>>, %arg6: memref<128x128xf32, #tpu.memory_space<vmem>>, %arg7: memref<128x128xf32, #tpu.memory_space<vmem>>, %arg8: memref<2000x384xf32, #tpu.memory_space<vmem>>) attributes {dimension_semantics = [#tpu.dimension_semantics<arbitrary>], iteration_bounds = array<i64: 5>, scalar_prefetch = 0 : i64, scratch_operands = 0 : i64, tpu.core_type = #tpu.core_type<tc>, window_params = [{transform_indices = @transform_0, window_bounds = array<i64: 2>}, {transform_indices = @transform_1, window_bounds = array<i64: 2000, 128>}, {transform_indices = @transform_2, window_bounds = array<i64: 2, 2000, 64>}, {transform_indices = @transform_3, window_bounds = array<i64: 2, 2000, 64>}, {pipeline_mode = #tpu.pipeline_mode<synchronous>, transform_indices = @transform_4, window_bounds = array<i64: 128, 128>}, {pipeline_mode = #tpu.pipeline_mode<synchronous>, transform_indices = @transform_5, window_bounds = array<i64: 128, 128>}, {pipeline_mode = #tpu.pipeline_mode<synchronous>, transform_indices = @transform_6, window_bounds = array<i64: 128, 128>}, {transform_indices = @transform_7, window_bounds = array<i64: 2000, 384>}]} {
    %get3A = arith.constant 0 : index
    %get3A_0 = memref.load %arg1[%get3A] : memref<2xf32, #tpu.memory_space<smem>>
    %get3A_1 = arith.constant 1 : index
    %get3A_2 = memref.load %arg1[%get3A_1] : memref<2xf32, #tpu.memory_space<smem>>
    %get3A_3 = arith.constant 0 : index
    %get3A_4 = arith.constant 0 : index
    %get3A_5 = arith.constant 0 : index
    %get3A_6 = vector.load %arg3[%get3A_3, %get3A_4, %get3A_5] : memref<2x2000x64xf32, #tpu.memory_space<vmem>>, vector<1x2000x64xf32>
    %get3A_7 = vector.shape_cast %get3A_6 : vector<1x2000x64xf32> to vector<2000x64xf32>
    %get3A_8 = arith.constant 1 : index
    %get3A_9 = arith.constant 0 : index
    %get3A_10 = arith.constant 0 : index
    %get3A_11 = vector.load %arg3[%get3A_8, %get3A_9, %get3A_10] : memref<2x2000x64xf32, #tpu.memory_space<vmem>>, vector<1x2000x64xf32>
    %get3A_12 = vector.shape_cast %get3A_11 : vector<1x2000x64xf32> to vector<2000x64xf32>
    %get3A_13 = arith.constant 0 : index
    %get3A_14 = arith.constant 0 : index
    %get3A_15 = arith.constant 0 : index
    %get3A_16 = vector.load %arg4[%get3A_13, %get3A_14, %get3A_15] : memref<2x2000x64xf32, #tpu.memory_space<vmem>>, vector<1x2000x64xf32>
    %get3A_17 = vector.shape_cast %get3A_16 : vector<1x2000x64xf32> to vector<2000x64xf32>
    %get3A_18 = arith.constant 1 : index
    %get3A_19 = arith.constant 0 : index
    %get3A_20 = arith.constant 0 : index
    %get3A_21 = vector.load %arg4[%get3A_18, %get3A_19, %get3A_20] : memref<2x2000x64xf32, #tpu.memory_space<vmem>>, vector<1x2000x64xf32>
    %get3A_22 = vector.shape_cast %get3A_21 : vector<1x2000x64xf32> to vector<2000x64xf32>
    %add3A = arith.addf %get3A_7, %get3A_17 : vector<2000x64xf32>
    %add3A_23 = arith.addf %get3A_12, %get3A_22 : vector<2000x64xf32>
    %get3A_24 = arith.constant 0 : index
    %get3A_25 = arith.constant 0 : index
    %get3A_26 = vector.load %arg2[%get3A_24, %get3A_25] : memref<2000x128xf32, #tpu.memory_space<vmem>>, vector<2000x128xf32>
    %slice3A = vector.extract_strided_slice %get3A_26 {offsets = [0, 0], sizes = [2000, 64], strides = [1, 1]} : vector<2000x128xf32> to vector<2000x64xf32>
    %add3A_27 = arith.constant 1.000000e+00 : f32
    %add3A_28 = arith.addf %add3A_27, %get3A_0 : f32
    %mul3A = vector.broadcast %add3A_28 : f32 to vector<2000x64xf32>
    %mul3A_29 = arith.mulf %mul3A, %add3A : vector<2000x64xf32>
    %add3A_30 = arith.addf %slice3A, %mul3A_29 : vector<2000x64xf32>
    %add3A_31 = arith.constant 1.000000e+00 : f32
    %add3A_32 = arith.addf %add3A_31, %get3A_2 : f32
    %mul3A_33 = vector.broadcast %add3A_32 : f32 to vector<2000x64xf32>
    %mul3A_34 = arith.mulf %mul3A_33, %get3A_17 : vector<2000x64xf32>
    %add3A_35 = arith.addf %add3A_30, %mul3A_34 : vector<2000x64xf32>
    %slice3A_36 = vector.extract_strided_slice %get3A_26 {offsets = [0, 64], sizes = [2000, 64], strides = [1, 1]} : vector<2000x128xf32> to vector<2000x64xf32>
    %add3A_37 = arith.constant 1.000000e+00 : f32
    %add3A_38 = arith.addf %add3A_37, %get3A_0 : f32
    %mul3A_39 = vector.broadcast %add3A_38 : f32 to vector<2000x64xf32>
    %mul3A_40 = arith.mulf %mul3A_39, %add3A_23 : vector<2000x64xf32>
    %add3A_41 = arith.addf %slice3A_36, %mul3A_40 : vector<2000x64xf32>
    %add3A_42 = arith.constant 1.000000e+00 : f32
    %add3A_43 = arith.addf %add3A_42, %get3A_2 : f32
    %mul3A_44 = vector.broadcast %add3A_43 : f32 to vector<2000x64xf32>
    %mul3A_45 = arith.mulf %mul3A_44, %get3A_22 : vector<2000x64xf32>
    %add3A_46 = arith.addf %add3A_41, %mul3A_45 : vector<2000x64xf32>
    %get3A_47 = arith.constant 0 : index
    %get3A_48 = arith.constant 0 : index
    %get3A_49 = vector.load %arg5[%get3A_47, %get3A_48] : memref<128x128xf32, #tpu.memory_space<vmem>>, vector<64x128xf32>
    %dot_general3A = arith.constant dense<0.000000e+00> : vector<2000x128xf32>
    %dot_general3A_50 = tpu.matmul %add3A_35, %get3A_49, %dot_general3A {dimension_numbers = #tpu.dot_dimension_numbers<[1], [0], [0], [1], [0, 0, 1, 1], [], []>, transpose_lhs_hint = false} : vector<2000x64xf32>, vector<64x128xf32>, vector<2000x128xf32> -> vector<2000x128xf32>
    %get3A_51 = arith.constant 64 : index
    %get3A_52 = arith.constant 0 : index
    %get3A_53 = vector.load %arg5[%get3A_51, %get3A_52] : memref<128x128xf32, #tpu.memory_space<vmem>>, vector<64x128xf32>
    %dot_general3A_54 = arith.constant dense<0.000000e+00> : vector<2000x128xf32>
    %dot_general3A_55 = tpu.matmul %add3A_46, %get3A_53, %dot_general3A_54 {dimension_numbers = #tpu.dot_dimension_numbers<[1], [0], [0], [1], [0, 0, 1, 1], [], []>, transpose_lhs_hint = false} : vector<2000x64xf32>, vector<64x128xf32>, vector<2000x128xf32> -> vector<2000x128xf32>
    %add3A_56 = arith.addf %dot_general3A_50, %dot_general3A_55 : vector<2000x128xf32>
    %max3A = arith.constant 0.000000e+00 : f32
    %max3A_57 = vector.broadcast %max3A : f32 to vector<2000x128xf32>
    %max3A_58 = arith.maximumf %add3A_56, %max3A_57 : vector<2000x128xf32>
    %swap3A = arith.constant 0 : index
    %swap3A_59 = arith.constant 0 : index
    %swap3A_60 = vector.load %arg8[%swap3A, %swap3A_59] : memref<2000x384xf32, #tpu.memory_space<vmem>>, vector<2000x128xf32>
    tpu.vector_store %arg8[%swap3A, %swap3A_59], %max3A_58 {strides = array<i32>} : memref<2000x384xf32, #tpu.memory_space<vmem>>, vector<2000x128xf32>,
    %get3A_61 = arith.constant 0 : index
    %get3A_62 = arith.constant 0 : index
    %get3A_63 = vector.load %arg6[%get3A_61, %get3A_62] : memref<128x128xf32, #tpu.memory_space<vmem>>, vector<64x128xf32>
    %dot_general3A_64 = arith.constant dense<0.000000e+00> : vector<2000x128xf32>
    %dot_general3A_65 = tpu.matmul %add3A, %get3A_63, %dot_general3A_64 {dimension_numbers = #tpu.dot_dimension_numbers<[1], [0], [0], [1], [0, 0, 1, 1], [], []>, transpose_lhs_hint = false} : vector<2000x64xf32>, vector<64x128xf32>, vector<2000x128xf32> -> vector<2000x128xf32>
    %get3A_66 = arith.constant 64 : index
    %get3A_67 = arith.constant 0 : index
    %get3A_68 = vector.load %arg6[%get3A_66, %get3A_67] : memref<128x128xf32, #tpu.memory_space<vmem>>, vector<64x128xf32>
    %dot_general3A_69 = arith.constant dense<0.000000e+00> : vector<2000x128xf32>
    %dot_general3A_70 = tpu.matmul %add3A_23, %get3A_68, %dot_general3A_69 {dimension_numbers = #tpu.dot_dimension_numbers<[1], [0], [0], [1], [0, 0, 1, 1], [], []>, transpose_lhs_hint = false} : vector<2000x64xf32>, vector<64x128xf32>, vector<2000x128xf32> -> vector<2000x128xf32>
    %add3A_71 = arith.addf %dot_general3A_65, %dot_general3A_70 : vector<2000x128xf32>
    %max3A_72 = arith.constant 0.000000e+00 : f32
    %max3A_73 = vector.broadcast %max3A_72 : f32 to vector<2000x128xf32>
    %max3A_74 = arith.maximumf %add3A_71, %max3A_73 : vector<2000x128xf32>
    %swap3A_75 = arith.constant 0 : index
    %swap3A_76 = arith.constant 128 : index
    %swap3A_77 = vector.load %arg8[%swap3A_75, %swap3A_76] : memref<2000x384xf32, #tpu.memory_space<vmem>>, vector<2000x128xf32>
    tpu.vector_store %arg8[%swap3A_75, %swap3A_76], %max3A_74 {strides = array<i32>} : memref<2000x384xf32, #tpu.memory_space<vmem>>, vector<2000x128xf32>,
    %get3A_78 = arith.constant 0 : index
    %get3A_79 = arith.constant 0 : index
    %get3A_80 = vector.load %arg7[%get3A_78, %get3A_79] : memref<128x128xf32, #tpu.memory_space<vmem>>, vector<64x128xf32>
    %dot_general3A_81 = arith.constant dense<0.000000e+00> : vector<2000x128xf32>
    %dot_general3A_82 = tpu.matmul %get3A_17, %get3A_80, %dot_general3A_81 {dimension_numbers = #tpu.dot_dimension_numbers<[1], [0], [0], [1], [0, 0, 1, 1], [], []>, transpose_lhs_hint = false} : vector<2000x64xf32>, vector<64x128xf32>, vector<2000x128xf32> -> vector<2000x128xf32>
    %get3A_83 = arith.constant 64 : index
    %get3A_84 = arith.constant 0 : index
    %get3A_85 = vector.load %arg7[%get3A_83, %get3A_84] : memref<128x128xf32, #tpu.memory_space<vmem>>, vector<64x128xf32>
    %dot_general3A_86 = arith.constant dense<0.000000e+00> : vector<2000x128xf32>
    %dot_general3A_87 = tpu.matmul %get3A_22, %get3A_85, %dot_general3A_86 {dimension_numbers = #tpu.dot_dimension_numbers<[1], [0], [0], [1], [0, 0, 1, 1], [], []>, transpose_lhs_hint = false} : vector<2000x64xf32>, vector<64x128xf32>, vector<2000x128xf32> -> vector<2000x128xf32>
    %add3A_88 = arith.addf %dot_general3A_82, %dot_general3A_87 : vector<2000x128xf32>
    %max3A_89 = arith.constant 0.000000e+00 : f32
    %max3A_90 = vector.broadcast %max3A_89 : f32 to vector<2000x128xf32>
    %max3A_91 = arith.maximumf %add3A_88, %max3A_90 : vector<2000x128xf32>
    %swap3A_92 = arith.constant 0 : index
    %swap3A_93 = arith.constant 256 : index
    %swap3A_94 = vector.load %arg8[%swap3A_92, %swap3A_93] : memref<2000x384xf32, #tpu.memory_space<vmem>>, vector<2000x128xf32>
    tpu.vector_store %arg8[%swap3A_92, %swap3A_93], %max3A_91 {strides = array<i32>} : memref<2000x384xf32, #tpu.memory_space<vmem>>, vector<2000x128xf32>,
    return
  }
  func.func @transform_0(%arg0: i32) -> i32 {
    %c0_i32 = arith.constant 0 : i32
    %c0_i32_0 = arith.constant 0 : i32
    return %c0_i32 : i32
  }
  func.func @transform_1(%arg0: i32) -> (i32, i32) {
    %c0_i32 = arith.constant 0 : i32
    %c0_i32_0 = arith.constant 0 : i32
    return %arg0, %c0_i32 : i32, i32
  }
  func.func @transform_2(%arg0: i32) -> (i32, i32, i32) {
    %c0_i32 = arith.constant 0 : i32
    %c0_i32_0 = arith.constant 0 : i32
    %c0_i32_1 = arith.constant 0 : i32
    return %c0_i32, %arg0, %c0_i32_0 : i32, i32, i32
  }
  func.func @transform_3(%arg0: i32) -> (i32, i32, i32) {
    %c0_i32 = arith.constant 0 : i32
    %c0_i32_0 = arith.constant 0 : i32
    %c0_i32_1 = arith.constant 0 : i32
    return %c0_i32, %arg0, %c0_i32_0 : i32, i32, i32
  }
  func.func @transform_4(%arg0: i32) -> (i32, i32) {
    %c0_i32 = arith.constant 0 : i32
    %c0_i32_0 = arith.constant 0 : i32
    %c0_i32_1 = arith.constant 0 : i32
    return %c0_i32, %c0_i32_0 : i32, i32
  }
  func.func @transform_5(%arg0: i32) -> (i32, i32) {
    %c0_i32 = arith.constant 0 : i32
    %c0_i32_0 = arith.constant 0 : i32
    %c0_i32_1 = arith.constant 0 : i32
    return %c0_i32, %c0_i32_0 : i32, i32
  }
  func.func @transform_6(%arg0: i32) -> (i32, i32) {
    %c0_i32 = arith.constant 0 : i32
    %c0_i32_0 = arith.constant 0 : i32
    %c0_i32_1 = arith.constant 0 : i32
    return %c0_i32, %c0_i32_0 : i32, i32
  }
  func.func @transform_7(%arg0: i32) -> (i32, i32) {
    %c0_i32 = arith.constant 0 : i32
    %c0_i32_0 = arith.constant 0 : i32
    return %arg0, %c0_i32 : i32, i32
  }
}

</mosaic_0001>

<sc_bundles>
// kernel: kernel.4.cloned.1.call-start
scs
__scs_entry_jumppad:
0x0: {  	(pc) =	sbr.rel $0x88, $3  }
0x1: {  	(tag) =	ssettag $0x0;
	lr =	simm.s32 $0x1  }
0x2: {  	[smem:$0x3F99] =	sst lr;
	_ =	strace $0xD0000000  }
0x3: {  	_ = 	snop  }
0x4: {  	_ = 	snop  }
0x5: {  	_ = 	snop  }
0x6: {  	_ = 	snop  }
0x7: {  	_ = 	snop  }
__scs_overlays_trampoline_lowered:
0x8: {  	[smem:$0x3FA8] =	sst s0  }
0x9: {  	[smem:$0x3FA9] =	sst s1  }
0xa: {  	[smem:$0x3FAA] =	sst s2  }
0xb: {  	[smem:$0x3FAB] =	sst s3  }
0xc: {  	[smem:$0x3FAC] =	sst s4  }
0xd: {  	[smem:$0x3FAD] =	sst s5  }
0xe: {  	[smem:$0x3FAE] =	sst s6  }
0xf: {  	[smem:$0x3FAF] =	sst s7  }
0x10: {  	[smem:$0x3FB0] =	sst s8  }
0x11: {  	[smem:$0x3FB1] =	sst s9;
	s0 =	simm.s32 @!p0 $0x0  }
0x12: {  	s1 =	sld [smem:$0x3F97];
	s0 =	simm.s32 @p0 $0x1  }
0x13: {  	[smem:$0x3FB2] =	sst s0;
	s0 =	simm.s32 @!p1 $0x0  }
0x14: {  	s2 =	sld [smem:$0x3F96];
	s0 =	simm.s32 @p1 $0x1  }
0x15: {  	[smem:$0x3FB3] =	sst s0;
	s0 =	simm.s32 @!p2 $0x0  }
0x16: {  	s3 =	sld [smem:$0x3FDB];
	s0 =	simm.s32 @p2 $0x1  }
0x17: {  	s4 =	simm.s32 $0x1BF5;
	[smem:$0x3FB5] =	sst s0  }
0x18: {  	s0 =	sld [smem:$0x3F98];
	_ =	swait.ge [sflag:s4], $0x0  }
0x19: {  	s7 =	sld [smem:$0x3F99]  }
0x1a: {  	s8 =	sadd.s32 $0xFFFFE003, lr  }
0x1b: {  	s9 =	sadd.s32 $0xFFFFFEF7, lr;
	s5 =	simm.s32 $0xFFFFFFFF;
	p2 =	slt.u32 s8, $0xFFFFF086  }
0x1c: {  	p1 =	slt.u32 s9, $0xF7A;
	s5 =	simm.s32 @!p2 $0x0  }
0x1d: {  	s5 =	simm.s32 @p1 $0x1;
	p0 =	seq.s32 s7, s2  }
0x1e: {  	s7 =	smul.u32 @!p0 $0xF7A, s2;
	p2 =	seq.s32 @!p0 s5, $0x0  }
0x1f: {  	s9 =	smul.u32 $0xF7A, s1;
	s8 =	simm.s32 @!p0 $0x1BF5;
	p2 =	por !p2, p0  }
0x20: {  	[sflag:s8] =	ssyncset.s32 @!p0 $0xFFFFF086;
	s6 =	sadd.s32 @!p0 s3, s7;
	s7 =	simm.s32 @!p0 $0x108  }
0x21: {  	s3 =	sadd.s32 s3, s9;
	s6 =	sadd.s32 @!p0 $0x88, s6;
	s7 =	simm.s32 @p2 $0x1082  }
0x22: {  	[simem:s7], [sflag:s8] =	dma.local @!p0 [hbm:s6], $0xF7A  }
0x23: {  	s9 =	sor.u32 $0xD0000000, s2;
	s6 =	simm.s32 $0x108;
	_ =	swait.ge @!p0 [sflag:s8], $0x0  }
0x24: {  	s3 =	sadd.s32 $0x88, s3;
	s6 =	simm.s32 @!p1 $0x1082;
	[sflag:s4] =	ssyncset.s32 $0xFFFFF086  }
0x25: {  	[simem:s6], [sflag:s4] =	dma.local [hbm:s3], $0xF7A  }
0x26: {  	[smem:$0x3F99] =	sst s1;
	(tag) =	ssettag s2;
	_ =	strace s9  }
0x27: {  	s1 =	sld [smem:$0x3FA9]  }
0x28: {  	s2 =	sld [smem:$0x3FAA]  }
0x29: {  	s4 =	sld [smem:$0x3FAC]  }
0x2a: {  	p0 =	seq.s32 s5, $0x0;
	s5 =	sld [smem:$0x3FAD]  }
0x2b: {  	s6 =	sld [smem:$0x3FAE]  }
0x2c: {  	s7 =	sld [smem:$0x3FAF]  }
0x2d: {  	s3 =	simm.s32 $0x108;
	s8 =	sld [smem:$0x3FB0]  }
0x2e: {  	s3 =	simm.s32 @!p0 $0x1082;
	s9 =	sld [smem:$0x3FB1]  }
0x2f: {  	lr =	sadd.s32 s0, s3;
	s0 =	sld [smem:$0x3FA8]  }
0x30: {  	s3 =	sld [smem:$0x3FAB]  }
0x31: {  	[smem:$0x3FB4] =	sst s10  }
0x32: {  	s10 =	sld [smem:$0x3FB2];
	_ =	sdelay $0x3  }
0x33: {  	p0 =	seq.s32 s10, $0x1;
	s10 =	sld [smem:$0x3FB4];
	_ =	sdelay $0x3  }
0x34: {  	[smem:$0x3FB4] =	sst s10  }
0x35: {  	s10 =	sld [smem:$0x3FB3];
	_ =	sdelay $0x3  }
0x36: {  	p1 =	seq.s32 s10, $0x1;
	s10 =	sld [smem:$0x3FB4];
	_ =	sdelay $0x3  }
0x37: {  	[smem:$0x3FB4] =	sst s10  }
0x38: {  	s10 =	sld [smem:$0x3FB5]  }
0x39: {  	_ = 	snop;
	(pc) =	sbr.ind lr, $3  }
0x3a: {  	_ = 	snop  }
0x3b: {  	_ = 	snop  }
0x3c: {  	p2 =	seq.s32 s10, $0x1;
	s10 =	sld [smem:$0x3FB4]  }
0x3d: {  	_ =	shalt  }
0x3e: {  	_ =	shalt  }
0x3f: {  	_ =	shalt  }
0x40: {  	_ =	shalt  }
0x41: {  	_ =	shalt  }
0x42: {  	_ =	shalt  }
0x43: {  	_ =	shalt  }
0x44: {  	_ =	shalt  }
0x45: {  	_ =	shalt  }
0x46: {  	_ =	shalt  }
0x47: {  	_ =	shalt  }
0x48: {  	_ =	shalt  }
0x49: {  	_ =	shalt  }
0x4a: {  	_ =	shalt  }
0x4b: {  	_ =	shalt  }
0x4c: {  	_ =	shalt  }
0x4d: {  	_ =	shalt  }
0x4e: {  	_ =	shalt  }
0x4f: {  	_ =	shalt  }
0x50: {  	_ =	shalt  }
0x51: {  	_ =	shalt  }
0x52: {  	_ =	shalt  }
0x53: {  	_ =	shalt  }
0x54: {  	_ =	shalt  }
0x55: {  	_ =	shalt  }
0x56: {  	_ =	shalt  }
0x57: {  	_ =	shalt  }
0x58: {  	_ =	shalt  }
0x59: {  	_ =	shalt  }
0x5a: {  	_ =	shalt  }
0x5b: {  	_ =	shalt  }
0x5c: {  	_ =	shalt  }
0x5d: {  	_ =	shalt  }
0x5e: {  	_ =	shalt  }
0x5f: {  	_ =	shalt  }
0x60: {  	_ =	shalt  }
0x61: {  	_ =	shalt  }
0x62: {  	_ =	shalt  }
0x63: {  	_ =	shalt  }
0x64: {  	_ =	shalt  }
0x65: {  	_ =	shalt  }
0x66: {  	_ =	shalt  }
0x67: {  	_ =	shalt  }
0x68: {  	_ =	shalt  }
0x69: {  	_ =	shalt  }
0x6a: {  	_ =	shalt  }
0x6b: {  	_ =	shalt  }
0x6c: {  	_ =	shalt  }
0x6d: {  	_ =	shalt  }
0x6e: {  	_ =	shalt  }
0x6f: {  	_ =	shalt  }
0x70: {  	_ =	shalt  }
0x71: {  	_ =	shalt  }
0x72: {  	_ =	shalt  }
0x73: {  	_ =	shalt  }
0x74: {  	_ =	shalt  }
0x75: {  	_ =	shalt  }
0x76: {  	_ =	shalt  }
0x77: {  	_ =	shalt  }
0x78: {  	_ =	shalt  }
0x79: {  	_ =	shalt  }
0x7a: {  	_ =	shalt  }
0x7b: {  	_ =	shalt  }
0x7c: {  	_ =	shalt  }
0x7d: {  	_ =	shalt  }
0x7e: {  	_ =	shalt  }
0x7f: {  	_ =	shalt  }
0x80: {  	_ =	shalt  }
0x81: {  	_ =	shalt  }
0x82: {  	_ =	shalt  }
0x83: {  	_ =	shalt  }
0x84: {  	_ =	shalt  }
0x85: {  	_ =	shalt  }
0x86: {  	_ =	shalt  }
0x87: {  	_ =	shalt  }
.Lfunc_end0:
.L_simem_size_0:
called_computation_lowered:
.L_overlay_start_0:
0x88: {  	s2 =	sld [smem:$0x3FD9]  }
0x89: {  	s3 =	sld [smem:$0x3FFE];
	_ =	sdelay $0x1  }
0x8a: {  	s1 =	srdreg.scid  }
0x8b: {  	s0 =	sand.u32 $0x1, s1  }
0x8c: {  	s17 =	sshll.u32 s0, $0xA;
	s2 =	sadd.s32 s3, s2  }
0x8d: {  	s2 =	sadd.s32 s2, s17  }
0x8e: {  	[smem:$0x3FC0] =	sst s2  }
0x8f: {  	_ = 	snop  }
0x90: {  	s2 =	sld [smem:$0x3FC7]  }
0x91: {  	s18 =	sld [smem:$0x3FD0];
	(tm) =	ssettm $0x1  }
0x92: {  	s4 =	sld [smem:$0x3FFB];
	_ =	sdelay $0x3  }
0x93: {  	_ =	strace s4  }
0x94: {  	s4 =	sld [smem:$0x3FFC];
	_ =	sdelay $0x3  }
0x95: {  	_ =	strace s4  }
0x96: {  	s4 =	sld [smem:$0x3FFD];
	_ =	sdelay $0x3  }
0x97: {  	_ =	strace s4  }
0x98: {  	_ =	strace $0x8FFFFFFF  }
0x99: {  	s19 =	sld [smem:$0x3FDB];
	_ =	sdelay $0x1  }
0x9a: {  	s5 =	simm.s32 $_scs_section_size  }
0x9b: {  	s6 =	simm.s32 $_size__tile_overlayer_lowered;
	s7 =	simm.s32 $_tile_overlayer_lowered  }
0x9c: {  	s22 =	simm.s32 $0x1BFF;
	s21 =	sshll.u32 s7, $0x1;
	s4 =	sadd.s32 s5, s19  }
0x9d: {  	s8 =	simm.s32 $0x0;
	s20 =	sshll.u32 s6, $0x1;
	s6 =	sadd.s32 s21, s4  }
0x9e: {  	[timem:s8], [sflag:s22] =	dma.local [hbm:s6], s20  }
0x9f: {  	_ =	swait.ge [sflag:s22], s20  }
0xa0: {  	s5 =	ssub.s32 $0x0, s20;
	[sflag:s22] =	ssyncset.done $0x0  }
0xa1: {  	[sflag:s22] =	ssyncadd.s32 s5;
	_ =	sdelay $0x1  }
0xa2: {  	s23 =	simm.s32 $0x1B8B  }
0xa3: {  	_ =	swait.ge [sflag:s23], $0x1  }
0xa4: {  	[sflag:s23] =	ssyncset.done $0x0  }
0xa5: {  	s25 =	simm.s32 $0x1B8E;
	s24 =	sld [smem:$0x3FFE];
	[sflag:s23] =	ssyncadd.s32 $0xFFFFFFFF  }
0xa6: {  	s26 =	simm.s32 $execute0_lowered;
	[smem:$0x3FD2] =	sst s25  }
0xa7: {  	s6 =	sshll.u32 s26, $0x1;
	_ =	strace $0x80000046;
	[dreg:$0x1] =	wrdreg $0xFFFFFFFF  }
0xa8: {  	s28 =	simm.s32 $_size_execute0_lowered;
	s4 =	sadd.s32 s4, s6;
	[dreg:$0x0] =	wrdreg $0x0  }
0xa9: {  	s6 =	sshll.u32 s28, $0x1;
	[dreg:$0x2] =	wrdreg s4  }
0xaa: {  	[dreg:$0x3] =	wrdreg s6  }
0xab: {  	[dreg:$0x4] =	wrdreg $0xC0  }
0xac: {  	_ =	task [dreg:s8], $0x5FFFF  }
0xad: {  	[dreg:$0x1] =	wrdreg $0xFFFFFFFF  }
0xae: {  	[dreg:$0x0] =	wrdreg $0x60  }
0xaf: {  	[dreg:$0x2] =	wrdreg s24  }
0xb0: {  	[dreg:$0x3] =	wrdreg s2  }
0xb1: {  	[dreg:$0x4] =	wrdreg s18  }
0xb2: {  	[dreg:$0x5] =	wrdreg $0x22000  }
0xb3: {  	[dreg:$0x6] =	wrdreg $0xC2000  }
0xb4: {  	[dreg:$0x7] =	wrdreg $0x9  }
0xb5: {  	_ =	task.clear_ibuf [dreg:s8], $0x8FFFF;
	_ =	strace $0x90000046  }
0xb6: {  	s29 =	simm.s32 $0x9;
	_ =	strace $0x80000048  }
0xb7: {  	_ =	swait.ge [sflag:s29], $0x1  }
0xb8: {  	[sflag:s29] =	ssyncadd.s32 $0xFFFFFFFF  }
0xb9: {  	_ =	strace $0x90000048  }
0xba: {  	_ =	sfence  }
0xbb: {  	s30 =	sld [smem:$0x0];
	_ =	sdelay $0x2  }
0xbc: {  	s31 =	sshll.u32 s1, $0xD;
	s1 =	sshrl.u32 s1, $0x2  }
0xbd: {  	s3 =	sand.u32 $0x4000, s31;
	s1 =	sadd.s32 s1, s30  }
0xbe: {  	s0 =	sor.u32 s3, s0;
	s1 =	sshll.u32 s1, $0x11  }
0xbf: {  	s0 =	sor.u32 s1, s0  }
0xc0: {  	s0 =	sadd.s32 $0x8F2B, s0  }
0xc1: {  	[sflag:s0] =	ssyncadd.remote.s32 $0x1  }
0xc2: {  	_ =	sfence.sel $0xFFFF  }
0xc3: {  	[dreg:$0x0] =	wrdreg $0xFFFFFFFF;
	(pc) =	sbr.abs _section_cstart, $3  }
0xc4: {  	[dreg:$0x1] =	wrdreg $0xFFFFFFFF  }
0xc5: {  	_ =	task.clear_ibuf [dreg:s8], $0x2FFFF;
	_ =	strace $0x9FFFFFFF  }
0xc6: {  	(tm) =	ssettm $0x7FFFFFFF  }
0xc7: {  	_ =	shalt  }
tec
execute0_lowered:
.L_overlay_start_1:
0x0: {  	(tag) =	ssettag $0x1  }
0x1: {  	s10 =	rddreg [dreg:$0x0]  }
0x2: {  	s1 =	rddreg [dreg:$0x1]  }
0x3: {  	s2 =	rddreg [dreg:$0x2]  }
0x4: {  	s3 =	rddreg [dreg:$0x3]  }
0x5: {  	s5 =	rddreg [dreg:$0x4]  }
0x6: {  	s0 =	rddreg [dreg:$0x5]  }
0x7: {  	s6 =	simm.s32 $0x0;
	s4 =	stileid.u32;
	s7 =	srdreg.scid  }
0x8: {  	s18 =	simm.s32 $0x3;
	s20 =	simm.s32 $0x80;
	s21 =	simm.s32 $0x200  }
0x9: {  	s22 =	simm.s32 $0x180;
	s23 =	simm.s32 $0x2;
	s25 =	simm.s32 $0x100  }
0xa: {  	s26 =	simm.s32 $0x0;
	[smem:$0x7FF] =	sst s6;
	s9 =	smul.u32 $0x9D0, s4  }
0xb: {  	s12 =	smul.u32 $0xA000, s4;
	s11 =	sand.u32 $0x1, s7;
	s7 =	sadd.s32 $0x14600, s10  }
0xc: {  	s8 =	sadd.s32 $0xC00, s10;
	s24 =	sor.u32 $0x2710, s4;
	s31 =	sshll.u32 s4, $0x6  }
0xd: {  	_ =	strace $0x80000047;
	s13 =	ssub.s32 $0x2, s11;
	p0 =	seq.s32 s11, $0x1  }
0xe: {  	v0 =	vmov s24;
	s24 =	simm.s32 $0x1;
	s16 =	sadd.s32 s9, s10;
	s9 =	sshrl.u32 s12, $0x3  }
.Ltmp0:
0xf: {  	s14 =	sshrl.u32 s13, $0x1;
	s17 =	sadd.s32 s12, s3;
	(pc) =	sbr.rel .LBB2_1-.Ltmp0, $4  }
0x10: {  	s19 =	sadd.s32 s12, s5;
	s15 =	sadd.s32 s9, s10;
	s10 =	sadd.s32 $0x4FC00, s10  }
0x11: {  	s13 =	ssub.s32 s13, s14;
	s12 =	sadd.s32 $0x14000, s9;
	s14 =	sor.u32 $0x1C03, s31  }
0x12: {  	s17 =	sshrl.u32 s17, $0x3;
	s19 =	sshrl.u32 s19, $0x3;
	s11 =	sadd.s32 $0x3BC00, s15  }
0x13: {  	s13 =	smax.u32 s13, $0x1;
	s15 =	sadd.s32 $0x28000, s16;
	s16 =	sadd.s32 $0x31E00, s16  }
.LBB2_7:
0x14: {  	vm1 =	veq.s32 v1, $0x1;
	v1 =	vsel vm0, v2, v0;
	[tilespmem:$0x160] =	vst v4  }
0x15: {  	v2 =	vsel vm1, v3, v0;
	[tilespmem:$0x140] =	vst v1  }
0x16: {  	[tilespmem:$0x100] =	vst v2  }
0x17: {  	_ =	swait.ge [sflag:s24], $0x2000  }
0x18: {  	[sflag:s24] =	ssyncset.done $0x0  }
0x19: {  	[sflag:s24] =	ssyncadd.s32 $0xFFFFE000  }
0x1a: {  	[spmem:s3] =	stream.indirect.scatter.add.f32 [tilespmem:s21], [sflag:$0x3], $0x40, s20, s20, $0xb8;
	[tilespmem:$0x16200] =	vst v63  }
0x1b: {  	_ =	swait.ge [sflag:s18], $0x2000  }
0x1c: {  	[sflag:s18] =	ssyncset.done $0x0  }
0x1d: {  	[sflag:s18] =	ssyncadd.s32 $0xFFFFE000  }
0x1e: {  	[spmem:s5] =	stream.indirect.scatter.add.f32 [tilespmem:s21], [sflag:$0x3], $0x40, s25, s20, $0xb8;
	[tilespmem:$0x16200] =	vst v63  }
0x1f: {  	_ =	swait.ge [sflag:s18], $0x2000  }
0x20: {  	[sflag:s18] =	ssyncset.done $0x0  }
0x21: {  	s28 =	smov.u32 s12;
	[sflag:s18] =	ssyncadd.s32 $0xFFFFE000  }
.LBB2_8:
0x22: {  	s29 =	sadd.s32 s2, s28;
	[bflag:$0x0] =	sbarrier.arrive $0xFFFF  }
0x23: {  	[hbm:s29], [sflag:s14] =	dma.local [spmem:s17], $0x1400  }
0x24: {  	s26 =	sadd.s32 $0x1, s26;
	_ =	swait.ge [sflag:s18], $0x1400  }
0x25: {  	p1 =	sne.s32 s26, s13;
	[sflag:s18] =	ssyncset.done $0x0  }
.Ltmp1:
0x26: {  	s31 =	sadd.s32 s10, s28;
	[sflag:s18] =	ssyncadd.s32 $0xFFFFEC00;
	(pc) =	sbr.rel @!p1 .LBB2_9-.Ltmp1, $4  }
0x27: {  	[hbm:s31], [sflag:s14] =	dma.local [spmem:s19], $0x1400  }
0x28: {  	_ =	swait.ge [sflag:s18], $0x1400  }
0x29: {  	[sflag:s18] =	ssyncset.done $0x0  }
0x2a: {  	[sflag:s18] =	ssyncadd.s32 $0xFFFFEC00  }
.LBB2_1:
0x2b: {  	[spmem:s17], [sflag:s14] =	dma.local [hbm:s11], $0x1400  }
0x2c: {  	_ =	swait.ge [sflag:s18], $0x1400  }
0x2d: {  	[sflag:s18] =	ssyncset.done $0x0  }
0x2e: {  	[sflag:s18] =	ssyncadd.s32 $0xFFFFEC00  }
0x2f: {  	[spmem:s19], [sflag:s14] =	dma.local [hbm:s11], $0x1400  }
.Ltmp2:
0x30: {  	_ =	swait.ge [sflag:s18], $0x1400;
	(pc) =	sbr.rel @!p0 .LBB2_2-.Ltmp2, $4  }
0x31: {  	[sflag:s18] =	ssyncset.done $0x0  }
0x32: {  	[sflag:s18] =	ssyncadd.s32 $0xFFFFEC00  }
0x33: {  	[bflag:$0x0] =	sbarrier.arrive $0xFFFF  }
0x34: {  	s28 =	sadd.s32 $0x0, s16  }
0x35: {  	[tilespmem:s6], [sflag:$0x3] =	stream.linear.gather [hbm4b:s28+s6], $0x80, $0x38;
	[tilespmem:$0x16200] =	vst v63  }
0x36: {  	_ =	swait.ge [sflag:s18], $0x80  }
0x37: {  	[sflag:s18] =	ssyncset.done $0x0  }
0x38: {  	s28 =	sadd.s32 $0x0, s15;
	[sflag:s18] =	ssyncadd.s32 $0xFFFFFF80  }
0x39: {  	[tilespmem:s20], [sflag:$0x3] =	stream.linear.gather [hbm4b:s28+s6], $0x80, $0x38;
	[tilespmem:$0x16200] =	vst v63  }
0x3a: {  	_ =	swait.ge [sflag:s18], $0x80  }
0x3b: {  	[sflag:s18] =	ssyncset.done $0x0  }
0x3c: {  	[sflag:s18] =	ssyncadd.s32 $0xFFFFFF80  }
0x3d: {  	[tilespmem:s21], [sflag:$0x1] =	stream.indirect.gather [hbm4b:s8+s20], $0x40, s6, s20, $0xb8;
	[tilespmem:$0x16200] =	vst v63  }
0x3e: {  	_ = 	snop  }
0x3f: {  	[tilespmem:s22], [sflag:$0x2] =	stream.indirect.gather [hbm4b:s1+s20], $0x1, s6, s20, $0xb8;
	[tilespmem:$0x16200] =	vst v63  }
0x40: {  	_ =	swait.ge [sflag:s23], $0x80  }
0x41: {  	[sflag:s23] =	ssyncset.done $0x0  }
0x42: {  	[sflag:s23] =	ssyncadd.s32 $0xFFFFFF80  }
0x43: {  	v1 =	vld [tilespmem:$0xD0]  }
0x44: {  	v2 =	vld [tilespmem:$0xB0]  }
0x45: {  	v3 =	vld [tilespmem:$0x1D0]  }
0x46: {  	v4 =	vld [tilespmem:$0xA0]  }
0x47: {  	v5 =	vld [tilespmem:$0x90]  }
0x48: {  	v6 =	vld [tilespmem:$0x1B0]  }
0x49: {  	v8 =	vld [tilespmem:$0x1A0]  }
0x4a: {  	v9 =	vld [tilespmem:$0xF0]  }
0x4b: {  	v10 =	vld [tilespmem:$0x1F0]  }
0x4c: {  	v11 =	vld [tilespmem:$0x190]  }
0x4d: {  	vm0 =	veq.s32 v3, $0x1;
	v3 =	vld [tilespmem:$0x1E0]  }
0x4e: {  	v7 =	vld [tilespmem:$0xE0];
	v1 =	vsel vm0, v1, v0;
	vm0 =	veq.s32 v6, $0x1  }
0x4f: {  	vm1 =	veq.s32 v8, $0x1;
	v6 =	vld [tilespmem:$0x1C0];
	[tilespmem:$0x150] =	vst v1;
	v1 =	vsel vm0, v2, v0  }
0x50: {  	v2 =	vsel vm1, v4, v0;
	[tilespmem:$0x130] =	vst v1;
	v1 =	vld [tilespmem:$0x180]  }
0x51: {  	vm0 =	veq.s32 v10, $0x1;
	vm1 =	veq.s32 v11, $0x1;
	[tilespmem:$0x120] =	vst v2;
	v2 =	vld [tilespmem:$0xC0]  }
0x52: {  	v4 =	vsel vm0, v9, v0;
	v5 =	vsel vm1, v5, v0;
	vm1 =	veq.s32 v3, $0x1;
	v3 =	vld [tilespmem:$0x80]  }
0x53: {  	[tilespmem:$0x170] =	vst v4  }
0x54: {  	s28 =	simm.s32 $0x10;
	[tilespmem:$0x110] =	vst v5;
	vm0 =	veq.s32 v6, $0x1;
	v4 =	vsel vm1, v7, v0  }
.LBB2_6:
0x55: {  	p1 =	sne.s32 s28, $0x9C0;
	s29 =	smov.u32 s28;
	s28 =	sadd.s32 $0x10, s28  }
0x56: {  	vm1 =	veq.s32 v1, $0x1;
	v1 =	vsel vm0, v2, v0;
	[tilespmem:$0x160] =	vst v4  }
0x57: {  	v2 =	vsel vm1, v3, v0;
	[tilespmem:$0x140] =	vst v1  }
0x58: {  	[tilespmem:$0x100] =	vst v2  }
0x59: {  	_ =	swait.ge [sflag:s24], $0x2000  }
0x5a: {  	[sflag:s24] =	ssyncset.done $0x0  }
0x5b: {  	[sflag:s24] =	ssyncadd.s32 $0xFFFFE000  }
0x5c: {  	[spmem:s3] =	stream.indirect.scatter.add.f32 [tilespmem:s21], [sflag:$0x3], $0x40, s20, s20, $0xb8;
	[tilespmem:$0x16200] =	vst v63  }
0x5d: {  	_ =	swait.ge [sflag:s18], $0x2000  }
0x5e: {  	[sflag:s18] =	ssyncset.done $0x0  }
0x5f: {  	[sflag:s18] =	ssyncadd.s32 $0xFFFFE000  }
0x60: {  	[spmem:s5] =	stream.indirect.scatter.add.f32 [tilespmem:s21], [sflag:$0x3], $0x40, s25, s20, $0xb8;
	[tilespmem:$0x16200] =	vst v63  }
0x61: {  	_ =	swait.ge [sflag:s18], $0x2000  }
0x62: {  	[sflag:s18] =	ssyncset.done $0x0  }
0x63: {  	s30 =	sadd.s32 s29, s16;
	[sflag:s18] =	ssyncadd.s32 $0xFFFFE000  }
0x64: {  	[tilespmem:s6], [sflag:$0x3] =	stream.linear.gather [hbm4b:s30+s6], $0x80, $0x38;
	[tilespmem:$0x16200] =	vst v63  }
0x65: {  	_ =	swait.ge [sflag:s18], $0x80  }
0x66: {  	[sflag:s18] =	ssyncset.done $0x0  }
0x67: {  	s29 =	sadd.s32 s29, s15;
	[sflag:s18] =	ssyncadd.s32 $0xFFFFFF80  }
0x68: {  	[tilespmem:s20], [sflag:$0x3] =	stream.linear.gather [hbm4b:s29+s6], $0x80, $0x38;
	[tilespmem:$0x16200] =	vst v63  }
0x69: {  	_ =	swait.ge [sflag:s18], $0x80  }
0x6a: {  	[sflag:s18] =	ssyncset.done $0x0  }
0x6b: {  	[sflag:s18] =	ssyncadd.s32 $0xFFFFFF80  }
0x6c: {  	[tilespmem:s21], [sflag:$0x1] =	stream.indirect.gather [hbm4b:s8+s20], $0x40, s6, s20, $0xb8;
	[tilespmem:$0x16200] =	vst v63  }
0x6d: {  	_ = 	snop  }
0x6e: {  	[tilespmem:s22], [sflag:$0x2] =	stream.indirect.gather [hbm4b:s1+s20], $0x1, s6, s20, $0xb8;
	[tilespmem:$0x16200] =	vst v63  }
0x6f: {  	_ =	swait.ge [sflag:s23], $0x80  }
0x70: {  	[sflag:s23] =	ssyncset.done $0x0  }
0x71: {  	[sflag:s23] =	ssyncadd.s32 $0xFFFFFF80  }
0x72: {  	v1 =	vld [tilespmem:$0xD0]  }
0x73: {  	v2 =	vld [tilespmem:$0xB0]  }
0x74: {  	v3 =	vld [tilespmem:$0x1D0]  }
0x75: {  	v4 =	vld [tilespmem:$0xA0]  }
0x76: {  	v5 =	vld [tilespmem:$0x90]  }
0x77: {  	v6 =	vld [tilespmem:$0x1B0]  }
0x78: {  	v7 =	vld [tilespmem:$0xE0]  }
0x79: {  	v8 =	vld [tilespmem:$0x1A0];
	vm0 =	veq.s32 v3, $0x1  }
0x7a: {  	v1 =	vsel vm0, v1, v0;
	v9 =	vld [tilespmem:$0xF0]  }
0x7b: {  	[tilespmem:$0x150] =	vst v1;
	v3 =	vld [tilespmem:$0x1F0]  }
0x7c: {  	v10 =	vld [tilespmem:$0x190];
	vm0 =	veq.s32 v6, $0x1  }
0x7d: {  	v1 =	vsel vm0, v2, v0;
	v6 =	vld [tilespmem:$0x1E0]  }
0x7e: {  	vm0 =	veq.s32 v8, $0x1;
	[tilespmem:$0x130] =	vst v1;
	v8 =	vld [tilespmem:$0x1C0]  }
.Ltmp3:
0x7f: {  	v1 =	vld [tilespmem:$0x180];
	v2 =	vsel vm0, v4, v0;
	(pc) =	sbr.rel @p1 .LBB2_6-.Ltmp3, $4  }
0x80: {  	[tilespmem:$0x120] =	vst v2;
	v2 =	vld [tilespmem:$0xC0];
	vm0 =	veq.s32 v3, $0x1  }
0x81: {  	v3 =	vld [tilespmem:$0x80];
	vm1 =	veq.s32 v10, $0x1;
	v4 =	vsel vm0, v9, v0  }
0x82: {  	v5 =	vsel vm1, v5, v0;
	vm1 =	veq.s32 v6, $0x1;
	[tilespmem:$0x170] =	vst v4  }
0x83: {  	[tilespmem:$0x110] =	vst v5;
	vm0 =	veq.s32 v8, $0x1;
	v4 =	vsel vm1, v7, v0  }
.Ltmp4:
0x84: {  	_ = 	snop;
	(pc) =	sbr.rel .LBB2_7-.Ltmp4, $1  }
0x85: {  	_ =	sdelay $0x3  }
.LBB2_2:
0x86: {  	[tilespmem:s6], [sflag:$0x3] =	stream.linear.gather [hbm4b:s28+s6], $0x80, $0x38;
	[tilespmem:$0x16200] =	vst v63  }
0x87: {  	_ =	swait.ge [sflag:s18], $0x80  }
0x88: {  	[sflag:s18] =	ssyncset.done $0x0  }
0x89: {  	s28 =	sadd.s32 $0x0, s15;
	[sflag:s18] =	ssyncadd.s32 $0xFFFFFF80  }
0x8a: {  	[tilespmem:s20], [sflag:$0x3] =	stream.linear.gather [hbm4b:s28+s6], $0x80, $0x38;
	[tilespmem:$0x16200] =	vst v63  }
0x8b: {  	_ =	swait.ge [sflag:s18], $0x80  }
0x8c: {  	[sflag:s18] =	ssyncset.done $0x0  }
0x8d: {  	[sflag:s18] =	ssyncadd.s32 $0xFFFFFF80  }
0x8e: {  	[tilespmem:s21], [sflag:$0x1] =	stream.indirect.gather [hbm4b:s7+s20], $0x40, s6, s20, $0xb8;
	[tilespmem:$0x16200] =	vst v63  }
0x8f: {  	_ = 	snop  }
0x90: {  	[tilespmem:s22], [sflag:$0x2] =	stream.indirect.gather [hbm4b:s1+s20], $0x1, s6, s20, $0xb8;
	[tilespmem:$0x16200] =	vst v63  }
0x91: {  	_ =	swait.ge [sflag:s23], $0x80  }
0x92: {  	[sflag:s23] =	ssyncset.done $0x0  }
0x93: {  	[sflag:s23] =	ssyncadd.s32 $0xFFFFFF80  }
0x94: {  	v1 =	vld [tilespmem:$0xD0]  }
0x95: {  	v2 =	vld [tilespmem:$0xB0]  }
0x96: {  	v3 =	vld [tilespmem:$0x1D0]  }
0x97: {  	v4 =	vld [tilespmem:$0xA0]  }
0x98: {  	v5 =	vld [tilespmem:$0x90]  }
0x99: {  	v6 =	vld [tilespmem:$0x1B0]  }
0x9a: {  	v8 =	vld [tilespmem:$0x1A0]  }
0x9b: {  	v9 =	vld [tilespmem:$0xF0]  }
0x9c: {  	v10 =	vld [tilespmem:$0x1F0]  }
0x9d: {  	v11 =	vld [tilespmem:$0x190]  }
0x9e: {  	vm0 =	veq.s32 v3, $0x1;
	v3 =	vld [tilespmem:$0x1E0]  }
0x9f: {  	v7 =	vld [tilespmem:$0xE0];
	v1 =	vsel vm0, v1, v0;
	vm0 =	veq.s32 v6, $0x1  }
0xa0: {  	vm1 =	veq.s32 v8, $0x1;
	v6 =	vld [tilespmem:$0x1C0];
	[tilespmem:$0x150] =	vst v1;
	v1 =	vsel vm0, v2, v0  }
0xa1: {  	v2 =	vsel vm1, v4, v0;
	[tilespmem:$0x130] =	vst v1;
	v1 =	vld [tilespmem:$0x180]  }
0xa2: {  	vm0 =	veq.s32 v10, $0x1;
	vm1 =	veq.s32 v11, $0x1;
	[tilespmem:$0x120] =	vst v2;
	v2 =	vld [tilespmem:$0xC0]  }
0xa3: {  	v4 =	vsel vm0, v9, v0;
	v5 =	vsel vm1, v5, v0;
	vm1 =	veq.s32 v3, $0x1;
	v3 =	vld [tilespmem:$0x80]  }
0xa4: {  	[tilespmem:$0x170] =	vst v4  }
0xa5: {  	s28 =	simm.s32 $0x10;
	[tilespmem:$0x110] =	vst v5;
	vm0 =	veq.s32 v6, $0x1;
	v4 =	vsel vm1, v7, v0  }
.LBB2_3:
0xa6: {  	p1 =	seq.s32 s28, $0x9C0;
	s29 =	smov.u32 s28;
	s28 =	sadd.s32 $0x10, s28  }
0xa7: {  	vm1 =	veq.s32 v1, $0x1;
	v1 =	vsel vm0, v2, v0;
	[tilespmem:$0x160] =	vst v4  }
0xa8: {  	v2 =	vsel vm1, v3, v0;
	[tilespmem:$0x140] =	vst v1  }
0xa9: {  	[tilespmem:$0x100] =	vst v2  }
0xaa: {  	_ =	swait.ge [sflag:s24], $0x2000  }
0xab: {  	[sflag:s24] =	ssyncset.done $0x0  }
0xac: {  	[sflag:s24] =	ssyncadd.s32 $0xFFFFE000  }
0xad: {  	[spmem:s3] =	stream.indirect.scatter.add.f32 [tilespmem:s21], [sflag:$0x3], $0x40, s20, s20, $0xb8;
	[tilespmem:$0x16200] =	vst v63  }
0xae: {  	_ =	swait.ge [sflag:s18], $0x2000  }
0xaf: {  	[sflag:s18] =	ssyncset.done $0x0  }
0xb0: {  	[sflag:s18] =	ssyncadd.s32 $0xFFFFE000  }
0xb1: {  	[spmem:s5] =	stream.indirect.scatter.add.f32 [tilespmem:s21], [sflag:$0x3], $0x40, s25, s20, $0xb8;
	[tilespmem:$0x16200] =	vst v63  }
0xb2: {  	_ =	swait.ge [sflag:s18], $0x2000  }
0xb3: {  	[sflag:s18] =	ssyncset.done $0x0  }
0xb4: {  	s30 =	sadd.s32 s29, s16;
	[sflag:s18] =	ssyncadd.s32 $0xFFFFE000  }
0xb5: {  	[tilespmem:s6], [sflag:$0x3] =	stream.linear.gather [hbm4b:s30+s6], $0x80, $0x38;
	[tilespmem:$0x16200] =	vst v63  }
0xb6: {  	_ =	swait.ge [sflag:s18], $0x80  }
0xb7: {  	[sflag:s18] =	ssyncset.done $0x0  }
0xb8: {  	s29 =	sadd.s32 s29, s15;
	[sflag:s18] =	ssyncadd.s32 $0xFFFFFF80  }
0xb9: {  	[tilespmem:s20], [sflag:$0x3] =	stream.linear.gather [hbm4b:s29+s6], $0x80, $0x38;
	[tilespmem:$0x16200] =	vst v63  }
0xba: {  	_ =	swait.ge [sflag:s18], $0x80  }
0xbb: {  	[sflag:s18] =	ssyncset.done $0x0  }
0xbc: {  	[sflag:s18] =	ssyncadd.s32 $0xFFFFFF80  }
0xbd: {  	[tilespmem:s21], [sflag:$0x1] =	stream.indirect.gather [hbm4b:s7+s20], $0x40, s6, s20, $0xb8;
	[tilespmem:$0x16200] =	vst v63  }
0xbe: {  	_ = 	snop  }
0xbf: {  	[tilespmem:s22], [sflag:$0x2] =	stream.indirect.gather [hbm4b:s1+s20], $0x1, s6, s20, $0xb8;
	[tilespmem:$0x16200] =	vst v63  }
0xc0: {  	_ =	swait.ge [sflag:s23], $0x80  }
0xc1: {  	[sflag:s23] =	ssyncset.done $0x0  }
0xc2: {  	[sflag:s23] =	ssyncadd.s32 $0xFFFFFF80  }
0xc3: {  	v1 =	vld [tilespmem:$0xD0]  }
0xc4: {  	v2 =	vld [tilespmem:$0xB0]  }
0xc5: {  	v3 =	vld [tilespmem:$0x1D0]  }
0xc6: {  	v4 =	vld [tilespmem:$0xA0]  }
0xc7: {  	v5 =	vld [tilespmem:$0x90]  }
0xc8: {  	v6 =	vld [tilespmem:$0x1B0]  }
0xc9: {  	v7 =	vld [tilespmem:$0xE0]  }
0xca: {  	v8 =	vld [tilespmem:$0x1A0];
	vm0 =	veq.s32 v3, $0x1  }
0xcb: {  	v1 =	vsel vm0, v1, v0;
	v9 =	vld [tilespmem:$0xF0]  }
0xcc: {  	[tilespmem:$0x150] =	vst v1;
	v3 =	vld [tilespmem:$0x1F0]  }
0xcd: {  	v10 =	vld [tilespmem:$0x190];
	vm0 =	veq.s32 v6, $0x1  }
0xce: {  	v1 =	vsel vm0, v2, v0;
	v6 =	vld [tilespmem:$0x1E0]  }
0xcf: {  	vm0 =	veq.s32 v8, $0x1;
	[tilespmem:$0x130] =	vst v1;
	v8 =	vld [tilespmem:$0x1C0]  }
.Ltmp5:
0xd0: {  	v1 =	vld [tilespmem:$0x180];
	v2 =	vsel vm0, v4, v0;
	(pc) =	sbr.rel @!p1 .LBB2_3-.Ltmp5, $4  }
0xd1: {  	[tilespmem:$0x120] =	vst v2;
	v2 =	vld [tilespmem:$0xC0];
	vm0 =	veq.s32 v3, $0x1  }
0xd2: {  	v3 =	vld [tilespmem:$0x80];
	vm1 =	veq.s32 v10, $0x1;
	v4 =	vsel vm0, v9, v0  }
0xd3: {  	v5 =	vsel vm1, v5, v0;
	vm1 =	veq.s32 v6, $0x1;
	[tilespmem:$0x170] =	vst v4  }
0xd4: {  	[tilespmem:$0x110] =	vst v5;
	vm0 =	veq.s32 v8, $0x1;
	v4 =	vsel vm1, v7, v0  }
0xd5: {  	_ = 	snop  }
0xd6: {  	vm1 =	veq.s32 v1, $0x1;
	[tilespmem:$0x160] =	vst v4;
	v1 =	vsel vm0, v2, v0  }
0xd7: {  	v2 =	vsel vm1, v3, v0;
	[tilespmem:$0x140] =	vst v1  }
0xd8: {  	[tilespmem:$0x100] =	vst v2  }
0xd9: {  	_ =	swait.ge [sflag:s24], $0x2000  }
0xda: {  	[sflag:s24] =	ssyncset.done $0x0  }
0xdb: {  	[sflag:s24] =	ssyncadd.s32 $0xFFFFE000  }
0xdc: {  	[spmem:s3] =	stream.indirect.scatter.add.f32 [tilespmem:s21], [sflag:$0x3], $0x40, s20, s20, $0xb8;
	[tilespmem:$0x16200] =	vst v63  }
0xdd: {  	_ =	swait.ge [sflag:s18], $0x2000  }
0xde: {  	[sflag:s18] =	ssyncset.done $0x0  }
.Ltmp6:
0xdf: {  	[sflag:s18] =	ssyncadd.s32 $0xFFFFE000;
	(pc) =	sbr.rel .LBB2_8-.Ltmp6, $4  }
0xe0: {  	[spmem:s5] =	stream.indirect.scatter.add.f32 [tilespmem:s21], [sflag:$0x3], $0x40, s25, s20, $0xb8;
	[tilespmem:$0x16200] =	vst v63  }
0xe1: {  	_ =	swait.ge [sflag:s18], $0x2000  }
0xe2: {  	[sflag:s18] =	ssyncset.done $0x0  }
0xe3: {  	s28 =	smov.u32 s9;
	[sflag:s18] =	ssyncadd.s32 $0xFFFFE000  }
.LBB2_9:
0xe4: {  	_ =	sfence.sel $0x180000  }
0xe5: {  	[bflag:$0x0] =	sbarrier.arrive $0xFFFF  }
0xe6: {  	p0 =	sne.s32 s4, $0x0;
	_ =	strace $0x90000047  }
0xe7: {  	s0 =	sadd.s32 @!p0 $0x100000, s0;
	[bflag:$0x2] =	sbarrier.arrive $0xFFFF  }
0xe8: {  	[sflag:s0] =	ssyncadd.tile.s32 @!p0 $0x1;
	_ =	shalt  }
.Lfunc_end2:
_tile_overlayer_lowered:
.L_overlay_start_2:
0xe9: {  	(tag) =	ssettag $0x2  }
0xea: {  	s0 =	rddreg [dreg:$0x0];
	s2 =	stileid.u32  }
0xeb: {  	s1 =	rddreg [dreg:$0x1];
	p0 =	sne.s32 s2, $0x0  }
0xec: {  	s3 =	rddreg [dreg:$0x2];
	[bflag:$0x3] =	sbarrier.arrive $0xFFFF;
	s2 =	simm.s32 @!p0 $0x1C03  }
0xed: {  	[timem:s3], [sflag:s2] =	dma.local @!p0 [hbm:s0], s1  }
0xee: {  	s0 =	simm.s32 @!p0 $0x3  }
0xef: {  	_ =	swait.ge @!p0 [sflag:s0], s1  }
0xf0: {  	s1 =	ssub.s32 @!p0 $0x0, s1;
	[sflag:s0] =	ssyncset.done @!p0 $0x0  }
0xf1: {  	[sflag:s0] =	ssyncadd.s32 @!p0 s1  }
0xf2: {  	[bflag:$0x3] =	sbarrier.arrive $0xFFFF  }
0xf3: {  	_ =	shalt  }

</sc_bundles>
